<compile_context>
chip_gen: v7x
topology: tpu7x:2x2x1
jax: 0.10.2.dev20260603
libtpu: 0.0.44.dev20260713+nightly
codegen_flags: <defaults>
</compile_context>

<pallas_src>
import functools

import jax
import jax.numpy as jnp
from jax import lax
from jax.experimental import pallas as pl
from jax.experimental.pallas import tpu as pltpu
from jax.experimental.pallas import tpu_sc as plsc

N = 10000
CH = 128
E = 320000
NC = 2
NS = 16
NT = NC * NS
CHUNK = 128
JCH = 80
EPAD = NT * JCH * CHUNK
TRASH = N
NROWS = 10112
RPT = NROWS // NS
DEGN = 10240
DPT = DEGN // NS

_mesh = plsc.VectorSubcoreMesh(
    core_axis_name="c", subcore_axis_name="s", num_cores=NC, num_subcores=NS
)


@functools.partial(
    pl.kernel,
    out_type=jax.ShapeDtypeStruct((NC, 1, DEGN), jnp.float32),
    mesh=_mesh,
    scratch_types=[
        pltpu.VMEM((JCH, CHUNK), jnp.int32),
        pltpu.VMEM((CHUNK,), jnp.float32),
        pltpu.VMEM((DPT,), jnp.float32),
        pltpu.VMEM_SHARED((DEGN,), jnp.float32),
    ],
)
def _deg_kernel(dst_hbm, out_hbm, dst_v, ones_v, zero_v, deg_sh):
    cid = lax.axis_index("c")
    sid = lax.axis_index("s")
    wid = cid * NS + sid

    zeros16 = jnp.zeros((16,), jnp.float32)
    ones16 = jnp.ones((16,), jnp.float32)

    def zfill(i, carry):
        zero_v[pl.ds(i * 16, 16)] = zeros16
        return carry

    lax.fori_loop(0, DPT // 16, zfill, 0)

    def ofill(i, carry):
        ones_v[pl.ds(i * 16, 16)] = ones16
        return carry

    lax.fori_loop(0, CHUNK // 16, ofill, 0)

    pltpu.sync_copy(zero_v, deg_sh.at[pl.ds(sid * DPT, DPT)])
    pltpu.sync_copy(dst_hbm.at[wid], dst_v)
    plsc.subcore_barrier()

    def body(j, carry):
        pltpu.sync_copy(ones_v, deg_sh.at[dst_v.at[j]], add=True)
        return carry

    lax.fori_loop(0, JCH, body, 0)
    plsc.subcore_barrier()

    pltpu.sync_copy(
        deg_sh.at[pl.ds(sid * DPT, DPT)], out_hbm.at[cid, 0, pl.ds(sid * DPT, DPT)]
    )


@functools.partial(
    pl.kernel,
    out_type=jax.ShapeDtypeStruct((NC, NROWS, CH), jnp.float32),
    mesh=_mesh,
    scratch_types=[
        pltpu.VMEM((JCH, CHUNK), jnp.int32),
        pltpu.VMEM((JCH, CHUNK), jnp.int32),
        pltpu.VMEM((CHUNK, CH), jnp.float32),
        pltpu.SemaphoreType.DMA,
        pltpu.VMEM_SHARED((NROWS, CH), jnp.float32),
    ],
)
def _agg_kernel(g_hbm, src_hbm, dst_hbm, out_hbm, src_v, dst_v, rows_a, sem_a, acc_sh):
    cid = lax.axis_index("c")
    sid = lax.axis_index("s")
    wid = cid * NS + sid

    zeros16 = jnp.zeros((16,), jnp.float32)

    def zfill(t, carry):
        i = t // (CH // 16)
        j = t % (CH // 16)
        rows_a[i, pl.ds(j * 16, 16)] = zeros16
        return carry

    lax.fori_loop(0, CHUNK * (CH // 16), zfill, 0)

    base = sid * RPT
    for k in range(RPT // CHUNK):
        pltpu.sync_copy(rows_a, acc_sh.at[pl.ds(base + k * CHUNK, CHUNK)])
    rem = RPT % CHUNK
    if rem:
        pltpu.sync_copy(
            rows_a.at[pl.ds(0, rem)],
            acc_sh.at[pl.ds(base + (RPT // CHUNK) * CHUNK, rem)],
        )

    pltpu.sync_copy(src_hbm.at[wid], src_v)
    pltpu.sync_copy(dst_hbm.at[wid], dst_v)
    plsc.subcore_barrier()

    def body(j, carry):
        pltpu.async_copy(g_hbm.at[src_v.at[j]], rows_a, sem_a).wait()
        pltpu.sync_copy(rows_a, acc_sh.at[dst_v.at[j]], add=True)
        return carry

    lax.fori_loop(0, JCH, body, 0)
    plsc.subcore_barrier()

    pltpu.sync_copy(
        acc_sh.at[pl.ds(base, RPT)], out_hbm.at[cid, pl.ds(base, RPT)]
    )


def _dense_body(x_ref, w_ref, degp_ref, g_ref):
    w = w_ref[...]
    cn = jnp.sqrt(jnp.sum(w * w, axis=0, keepdims=True))
    scale = jnp.where(cn > 1.0, 1.0 / cn, 1.0)
    xs = x_ref[...] * scale
    h = lax.dot_general(
        xs, w, (((1,), (1,)), ((), ())), preferred_element_type=jnp.float32
    )
    dp = degp_ref[...]
    dinv = 1.0 / jnp.sqrt(dp[:, 0:1] + dp[:, 1:2] + 1.0)
    g_ref[...] = h * dinv


_dense = pl.pallas_call(
    _dense_body,
    out_shape=jax.ShapeDtypeStruct((N, CH), jnp.float32),
)


def _combine_body(p_ref, g_ref, degp_ref, b_ref, o_ref):
    dp = degp_ref[...]
    dinv = 1.0 / jnp.sqrt(dp[:, 0:1] + dp[:, 1:2] + 1.0)
    s = p_ref[0, :N, :] + p_ref[1, :N, :] + g_ref[...]
    o_ref[...] = dinv * s + b_ref[...]


_combine = pl.pallas_call(
    _combine_body,
    out_shape=jax.ShapeDtypeStruct((N, CH), jnp.float32),
)


def kernel(x, edge_index, W, b):
    e = edge_index.astype(jnp.int32)
    src = e[0]
    dst = e[1]
    pad = EPAD - E
    ar = jnp.arange(pad, dtype=jnp.int32)
    src_p = jnp.concatenate([src, ar % N])
    dst_p = jnp.concatenate([dst, TRASH + (ar % (NROWS - N))])
    src3 = src_p.reshape(NT, JCH, CHUNK)
    dst3 = dst_p.reshape(NT, JCH, CHUNK)

    deg_parts = _deg_kernel(dst3)
    degp = deg_parts.reshape(NC, DEGN).T[:N]
    g = _dense(x, W, degp)
    parts = _agg_kernel(g, src3, dst3)
    out = _combine(parts, g, degp, b.reshape(1, CH))
    return out

# --- scband reference (transcript-rebuilt; emitter-appended) ---
"""Pipeline reference for scband-gcnconv-with-constraint-12970801234372 (READ-ONLY COPY).

The authoritative reference and input builder live on the scoring server;
editing this copy changes nothing except your own understanding.
"""

import jax, jax.numpy as jnp
import numpy as np

N_NODES = 10000
N_EDGES = 320000
IN_CH = 128
OUT_CH = 128
MAX_NORM = 1.0


def setup_inputs(seed: int = 0) -> dict:
    key = jax.random.key(seed)
    k1, k2, k3, k4 = jax.random.split(key, 4)
    x = jax.random.normal(k1, (N_NODES, IN_CH), dtype=jnp.float32)
    edge_index = jax.random.randint(k2, (2, N_EDGES), 0, N_NODES, dtype=jnp.int64)
    # GCNConv lin weight: [out_channels, in_channels] (glorot init), bias zeros
    limit = float(np.sqrt(6.0 / (IN_CH + OUT_CH)))
    W = jax.random.uniform(k3, (OUT_CH, IN_CH), minval=-limit, maxval=limit, dtype=jnp.float32)
    b = jnp.zeros((OUT_CH,), dtype=jnp.float32)
    return {"x": x, "edge_index": edge_index, "W": W, "b": b}


def reference(x, edge_index, W, b):
    N = x.shape[0]
    # weight renorm: torch.renorm(W, p=2, dim=1, maxnorm) caps the L2 norm of each
    # slice along dim=1 (each column W[:, j]) at max_norm
    col_norms = jnp.sqrt(jnp.sum(W * W, axis=0))
    scale = jnp.where(col_norms > MAX_NORM, MAX_NORM / col_norms, 1.0)
    Wn = W * scale[None, :]
    # linear transform (no bias inside lin; bias added after aggregation, per PyG GCNConv)
    h = x @ Wn.T
    src = edge_index[0]
    dst = edge_index[1]
    # add self loops
    loop = jnp.arange(N, dtype=edge_index.dtype)
    src = jnp.concatenate([src, loop])
    dst = jnp.concatenate([dst, loop])
    # symmetric gcn normalization: deg computed over dst (col)
    deg = jnp.zeros((N,), dtype=h.dtype).at[dst].add(1.0)
    deg_inv_sqrt = jnp.where(deg > 0, 1.0 / jnp.sqrt(deg), 0.0)
    norm = deg_inv_sqrt[src] * deg_inv_sqrt[dst]
    # message = norm * h[src], aggregate (scatter-add) at dst
    msg = h[src] * norm[:, None]
    out = jnp.zeros((N, h.shape[1]), dtype=h.dtype).at[dst].add(msg)
    return out + b[None, :]

if __name__ == "__main__":
    import jax
    _d = setup_inputs()
    print(jax.jit(kernel)(*tuple(_d.values())))

</pallas_src>

<mosaic_0001>
#map = affine_map<(d0, d1) -> (0, 0, 0)>
module attributes {stable_mosaic.version = 14 : i64} {
  func.func @_deg_kernel(%arg0: i32, %arg1: i32, %arg2: memref<32x80x128xi32, #tpu.memory_space<hbm>>, %arg3: memref<2x1x10240xf32, #tpu.memory_space<hbm>>, %arg4: memref<80x128xi32, #tpu.memory_space<vmem>>, %arg5: memref<128xf32, #tpu.memory_space<vmem>>, %arg6: memref<640xf32, #tpu.memory_space<vmem>>, %arg7: memref<10240xf32, #tpu.memory_space<vmem_shared>>) attributes {dimension_semantics = [#tpu.dimension_semantics<core_parallel>, #tpu.dimension_semantics<subcore_parallel>], iteration_bounds = array<i64: 2, 16>, scalar_prefetch = 0 : i64, scratch_operands = 4 : i64, tpu.core_type = #tpu.core_type<sc_vector_subcore>, window_params = [{transform_indices = #map}, {transform_indices = #map}]} {
    %mul3A = arith.constant 16 : i32
    %mul3A_0 = arith.muli %arg0, %mul3A : i32
    %add3A = arith.addi %mul3A_0, %arg1 : i32
    %broadcast_in_dim3A = arith.constant 0.000000e+00 : f32
    %broadcast_in_dim3A_1 = vector.broadcast %broadcast_in_dim3A : f32 to vector<16xf32>
    %broadcast_in_dim3A_2 = arith.constant 1.000000e+00 : f32
    %broadcast_in_dim3A_3 = vector.broadcast %broadcast_in_dim3A_2 : f32 to vector<16xf32>
    %scan3A = arith.constant 0 : i32
    %scan3A_4 = arith.constant 0 : i32
    %scan3A_5 = arith.constant 40 : i32
    %scan3A_6 = arith.addi %scan3A_4, %scan3A_5 : i32
    %scan3A_7 = arith.constant 1 : i32
    scf.for %scan3A_28 = %scan3A_4 to %scan3A_6 step %scan3A_7  : i32 {
      %mul3A_29 = arith.constant 16 : i32
      %mul3A_30 = arith.muli %scan3A_28, %mul3A_29 : i32
      %swap3A = arith.index_cast %mul3A_30 : i32 to index
      %swap3A_31 = tpu.vector_load %arg6[%swap3A] {strides = array<i32>} : memref<640xf32, #tpu.memory_space<vmem>>, vector<16xf32>,
      %swap3A_32 = vector.shape_cast %swap3A_31 : vector<16xf32> to vector<16xf32>
      %swap3A_33 = vector.shape_cast %broadcast_in_dim3A_1 : vector<16xf32> to vector<16xf32>
      tpu.vector_store %arg6[%swap3A], %swap3A_33 {strides = array<i32>} : memref<640xf32, #tpu.memory_space<vmem>>, vector<16xf32>,
    }
    %scan3A_8 = arith.constant 40 : i32
    %scan3A_9 = arith.constant 0 : i32
    %scan3A_10 = arith.constant 0 : i32
    %scan3A_11 = arith.constant 8 : i32
    %scan3A_12 = arith.addi %scan3A_10, %scan3A_11 : i32
    %scan3A_13 = arith.constant 1 : i32
    scf.for %scan3A_28 = %scan3A_10 to %scan3A_12 step %scan3A_13  : i32 {
      %mul3A_29 = arith.constant 16 : i32
      %mul3A_30 = arith.muli %scan3A_28, %mul3A_29 : i32
      %swap3A = arith.index_cast %mul3A_30 : i32 to index
      %swap3A_31 = tpu.vector_load %arg5[%swap3A] {strides = array<i32>} : memref<128xf32, #tpu.memory_space<vmem>>, vector<16xf32>,
      %swap3A_32 = vector.shape_cast %swap3A_31 : vector<16xf32> to vector<16xf32>
      %swap3A_33 = vector.shape_cast %broadcast_in_dim3A_3 : vector<16xf32> to vector<16xf32>
      tpu.vector_store %arg5[%swap3A], %swap3A_33 {strides = array<i32>} : memref<128xf32, #tpu.memory_space<vmem>>, vector<16xf32>,
    }
    %scan3A_14 = arith.constant 8 : i32
    %mul3A_15 = arith.constant 640 : i32
    %mul3A_16 = arith.muli %arg1, %mul3A_15 : i32
    "tpu.region"() ({
      %run_scoped3A_28 = tpu.sem_alloc : memref<!tpu.dma_semaphore, #tpu.memory_space<semaphore_mem>>
      %dma_start3A = tpu.memref_slice %arg7[%mul3A_16] : memref<10240xf32, #tpu.memory_space<vmem_shared>> -> memref<640xf32, #tpu.memory_space<vmem_shared>>
      %dma_start3A_29 = tpu.memref_slice %arg7[%mul3A_16] : memref<10240xf32, #tpu.memory_space<vmem_shared>> -> memref<640xf32, #tpu.memory_space<vmem_shared>>
      tpu.enqueue_dma source(%arg6 : memref<640xf32, #tpu.memory_space<vmem>>) target(%dma_start3A_29 : memref<640xf32, #tpu.memory_space<vmem_shared>>) target_semaphore(%run_scoped3A_28 : memref<!tpu.dma_semaphore, #tpu.memory_space<semaphore_mem>>)
      %dma_wait3A = tpu.memref_slice %arg7[%mul3A_16] : memref<10240xf32, #tpu.memory_space<vmem_shared>> -> memref<640xf32, #tpu.memory_space<vmem_shared>>
      %dma_wait3A_30 = tpu.memref_slice %arg7[%mul3A_16] : memref<10240xf32, #tpu.memory_space<vmem_shared>> -> memref<640xf32, #tpu.memory_space<vmem_shared>>
      tpu.wait_dma2 semaphore(%run_scoped3A_28 : memref<!tpu.dma_semaphore, #tpu.memory_space<semaphore_mem>>) src(%arg6 : memref<640xf32, #tpu.memory_space<vmem>>) dst(%dma_wait3A_30 : memref<640xf32, #tpu.memory_space<vmem_shared>>)
      tpu.yield
    }) : () -> ()
    "tpu.region"() ({
      %run_scoped3A_28 = tpu.sem_alloc : memref<!tpu.dma_semaphore, #tpu.memory_space<semaphore_mem>>
      %dma_start3A = arith.constant 0 : i32
      %dma_start3A_29 = arith.constant 0 : i32
      %dma_start3A_30 = tpu.memref_slice %arg2[%add3A, %dma_start3A, %dma_start3A_29] : memref<32x80x128xi32, #tpu.memory_space<hbm>> -> memref<1x80x128xi32, #tpu.memory_space<hbm>>
      %dma_start3A_31 = tpu.memref_squeeze %dma_start3A_30 : memref<1x80x128xi32, #tpu.memory_space<hbm>> -> memref<80x128xi32, #tpu.memory_space<hbm>>
      %dma_start3A_32 = arith.constant 0 : i32
      %dma_start3A_33 = arith.constant 0 : i32
      %dma_start3A_34 = tpu.memref_slice %arg2[%add3A, %dma_start3A_32, %dma_start3A_33] : memref<32x80x128xi32, #tpu.memory_space<hbm>> -> memref<1x80x128xi32, #tpu.memory_space<hbm>>
      %dma_start3A_35 = tpu.memref_squeeze %dma_start3A_34 : memref<1x80x128xi32, #tpu.memory_space<hbm>> -> memref<80x128xi32, #tpu.memory_space<hbm>>
      tpu.enqueue_dma source(%dma_start3A_35 : memref<80x128xi32, #tpu.memory_space<hbm>>) target(%arg4 : memref<80x128xi32, #tpu.memory_space<vmem>>) target_semaphore(%run_scoped3A_28 : memref<!tpu.dma_semaphore, #tpu.memory_space<semaphore_mem>>)
      %dma_wait3A = arith.constant 0 : i32
      %dma_wait3A_36 = arith.constant 0 : i32
      %dma_wait3A_37 = tpu.memref_slice %arg2[%add3A, %dma_wait3A, %dma_wait3A_36] : memref<32x80x128xi32, #tpu.memory_space<hbm>> -> memref<1x80x128xi32, #tpu.memory_space<hbm>>
      %dma_wait3A_38 = tpu.memref_squeeze %dma_wait3A_37 : memref<1x80x128xi32, #tpu.memory_space<hbm>> -> memref<80x128xi32, #tpu.memory_space<hbm>>
      %dma_wait3A_39 = arith.constant 0 : i32
      %dma_wait3A_40 = arith.constant 0 : i32
      %dma_wait3A_41 = tpu.memref_slice %arg2[%add3A, %dma_wait3A_39, %dma_wait3A_40] : memref<32x80x128xi32, #tpu.memory_space<hbm>> -> memref<1x80x128xi32, #tpu.memory_space<hbm>>
      %dma_wait3A_42 = tpu.memref_squeeze %dma_wait3A_41 : memref<1x80x128xi32, #tpu.memory_space<hbm>> -> memref<80x128xi32, #tpu.memory_space<hbm>>
      tpu.wait_dma2 semaphore(%run_scoped3A_28 : memref<!tpu.dma_semaphore, #tpu.memory_space<semaphore_mem>>) src(%dma_wait3A_42 : memref<80x128xi32, #tpu.memory_space<hbm>>) dst(%arg4 : memref<80x128xi32, #tpu.memory_space<vmem>>)
      tpu.yield
    }) : () -> ()
    %barrier3A = arith.constant 0 : index
    tpu.barrier barrier_id(%barrier3A)
    %scan3A_17 = arith.constant 0 : i32
    %scan3A_18 = arith.constant 0 : i32
    %scan3A_19 = arith.constant 80 : i32
    %scan3A_20 = arith.addi %scan3A_18, %scan3A_19 : i32
    %scan3A_21 = arith.constant 1 : i32
    scf.for %scan3A_28 = %scan3A_18 to %scan3A_20 step %scan3A_21  : i32 {
      "tpu.region"() ({
        %run_scoped3A_29 = tpu.sem_alloc : memref<!tpu.dma_semaphore, #tpu.memory_space<semaphore_mem>>
        %dma_start3A = arith.constant 0 : i32
        %dma_start3A_30 = tpu.memref_slice %arg4[%scan3A_28, %dma_start3A] : memref<80x128xi32, #tpu.memory_space<vmem>> -> memref<1x128xi32, #tpu.memory_space<vmem>>
        %dma_start3A_31 = tpu.memref_squeeze %dma_start3A_30 : memref<1x128xi32, #tpu.memory_space<vmem>> -> memref<128xi32, #tpu.memory_space<vmem>>
        %dma_start3A_32 = arith.constant 0 : i32
        %dma_start3A_33 = tpu.memref_slice %arg7[%dma_start3A_32] : memref<10240xf32, #tpu.memory_space<vmem_shared>> -> memref<10240xf32, #tpu.memory_space<vmem_shared>>
        tpu.enqueue_indirect_dma source(%arg5 : memref<128xf32, #tpu.memory_space<vmem>>) target(%dma_start3A_33 : memref<10240xf32, #tpu.memory_space<vmem_shared>>) offsets(%dma_start3A_31 : memref<128xi32, #tpu.memory_space<vmem>>) semaphore(%run_scoped3A_29 : memref<!tpu.dma_semaphore, #tpu.memory_space<semaphore_mem>>) {add = true}
        %dma_wait3A = arith.constant 0 : i32
        %dma_wait3A_34 = tpu.memref_slice %arg4[%scan3A_28, %dma_wait3A] : memref<80x128xi32, #tpu.memory_space<vmem>> -> memref<1x128xi32, #tpu.memory_space<vmem>>
        %dma_wait3A_35 = tpu.memref_squeeze %dma_wait3A_34 : memref<1x128xi32, #tpu.memory_space<vmem>> -> memref<128xi32, #tpu.memory_space<vmem>>
        %dma_wait3A_36 = arith.constant 0 : i32
        %dma_wait3A_37 = tpu.memref_slice %arg7[%dma_wait3A_36] : memref<10240xf32, #tpu.memory_space<vmem_shared>> -> memref<10240xf32, #tpu.memory_space<vmem_shared>>
        tpu.wait_indirect_dma semaphore(%run_scoped3A_29 : memref<!tpu.dma_semaphore, #tpu.memory_space<semaphore_mem>>) src(%arg5 : memref<128xf32, #tpu.memory_space<vmem>>) dst(%dma_wait3A_37 : memref<10240xf32, #tpu.memory_space<vmem_shared>>)
        tpu.yield
      }) : () -> ()
    }
    %scan3A_22 = arith.constant 80 : i32
    %barrier3A_23 = arith.constant 0 : index
    tpu.barrier barrier_id(%barrier3A_23)
    %mul3A_24 = arith.constant 640 : i32
    %mul3A_25 = arith.muli %arg1, %mul3A_24 : i32
    %mul3A_26 = arith.constant 640 : i32
    %mul3A_27 = arith.muli %arg1, %mul3A_26 : i32
    %run_scoped3A = arith.constant 0 : i32
    "tpu.region"() ({
      %run_scoped3A_28 = tpu.sem_alloc : memref<!tpu.dma_semaphore, #tpu.memory_space<semaphore_mem>>
      %dma_start3A = tpu.memref_slice %arg3[%arg0, %run_scoped3A, %mul3A_27] : memref<2x1x10240xf32, #tpu.memory_space<hbm>> -> memref<1x1x640xf32, #tpu.memory_space<hbm>>
      %dma_start3A_29 = tpu.memref_squeeze %dma_start3A : memref<1x1x640xf32, #tpu.memory_space<hbm>> -> memref<640xf32, #tpu.memory_space<hbm>>
      %dma_start3A_30 = tpu.memref_slice %arg7[%mul3A_25] : memref<10240xf32, #tpu.memory_space<vmem_shared>> -> memref<640xf32, #tpu.memory_space<vmem_shared>>
      tpu.enqueue_dma source(%dma_start3A_30 : memref<640xf32, #tpu.memory_space<vmem_shared>>) target(%dma_start3A_29 : memref<640xf32, #tpu.memory_space<hbm>>) target_semaphore(%run_scoped3A_28 : memref<!tpu.dma_semaphore, #tpu.memory_space<semaphore_mem>>)
      %dma_wait3A = tpu.memref_slice %arg3[%arg0, %run_scoped3A, %mul3A_27] : memref<2x1x10240xf32, #tpu.memory_space<hbm>> -> memref<1x1x640xf32, #tpu.memory_space<hbm>>
      %dma_wait3A_31 = tpu.memref_squeeze %dma_wait3A : memref<1x1x640xf32, #tpu.memory_space<hbm>> -> memref<640xf32, #tpu.memory_space<hbm>>
      %dma_wait3A_32 = tpu.memref_slice %arg7[%mul3A_25] : memref<10240xf32, #tpu.memory_space<vmem_shared>> -> memref<640xf32, #tpu.memory_space<vmem_shared>>
      tpu.wait_dma2 semaphore(%run_scoped3A_28 : memref<!tpu.dma_semaphore, #tpu.memory_space<semaphore_mem>>) src(%dma_wait3A_32 : memref<640xf32, #tpu.memory_space<vmem_shared>>) dst(%dma_wait3A_31 : memref<640xf32, #tpu.memory_space<hbm>>)
      tpu.yield
    }) : () -> ()
    return
  }
}

#map = affine_map<(d0, d1) -> (0, 0)>
#map1 = affine_map<(d0, d1) -> (0, 0, 0)>
module attributes {stable_mosaic.version = 14 : i64} {
  func.func @_agg_kernel(%arg0: i32, %arg1: i32, %arg2: memref<10000x128xf32, #tpu.memory_space<hbm>>, %arg3: memref<32x80x128xi32, #tpu.memory_space<hbm>>, %arg4: memref<32x80x128xi32, #tpu.memory_space<hbm>>, %arg5: memref<2x10112x128xf32, #tpu.memory_space<hbm>>, %arg6: memref<80x128xi32, #tpu.memory_space<vmem>>, %arg7: memref<80x128xi32, #tpu.memory_space<vmem>>, %arg8: memref<128x128xf32, #tpu.memory_space<vmem>>, %arg9: memref<!tpu.dma_semaphore, #tpu.memory_space<semaphore_mem>>, %arg10: memref<10112x128xf32, #tpu.memory_space<vmem_shared>>) attributes {dimension_semantics = [#tpu.dimension_semantics<core_parallel>, #tpu.dimension_semantics<subcore_parallel>], iteration_bounds = array<i64: 2, 16>, scalar_prefetch = 0 : i64, scratch_operands = 5 : i64, tpu.core_type = #tpu.core_type<sc_vector_subcore>, window_params = [{transform_indices = #map}, {transform_indices = #map1}, {transform_indices = #map1}, {transform_indices = #map1}]} {
    %mul3A = arith.constant 16 : i32
    %mul3A_0 = arith.muli %arg0, %mul3A : i32
    %add3A = arith.addi %mul3A_0, %arg1 : i32
    %broadcast_in_dim3A = arith.constant 0.000000e+00 : f32
    %broadcast_in_dim3A_1 = vector.broadcast %broadcast_in_dim3A : f32 to vector<16xf32>
    %scan3A = arith.constant 0 : i32
    %scan3A_2 = arith.constant 0 : i32
    %scan3A_3 = arith.constant 1024 : i32
    %scan3A_4 = arith.addi %scan3A_2, %scan3A_3 : i32
    %scan3A_5 = arith.constant 1 : i32
    scf.for %scan3A_26 = %scan3A_2 to %scan3A_4 step %scan3A_5  : i32 {
      %jit3A = arith.constant 8 : i32
      %div3A = arith.divsi %scan3A_26, %jit3A : i32
      %sign3A = arith.constant 0 : i32
      %sign3A_27 = arith.cmpi sgt, %scan3A_26, %sign3A : i32
      %sign3A_28 = arith.extui %sign3A_27 : i1 to i32
      %sign3A_29 = arith.constant 0 : i32
      %sign3A_30 = arith.cmpi slt, %scan3A_26, %sign3A_29 : i32
      %sign3A_31 = arith.extui %sign3A_30 : i1 to i32
      %sign3A_32 = arith.subi %sign3A_28, %sign3A_31 : i32
      %sign3A_33 = arith.constant 0 : i32
      %sign3A_34 = arith.cmpi sgt, %jit3A, %sign3A_33 : i32
      %sign3A_35 = arith.extui %sign3A_34 : i1 to i32
      %sign3A_36 = arith.constant 0 : i32
      %sign3A_37 = arith.cmpi slt, %jit3A, %sign3A_36 : i32
      %sign3A_38 = arith.extui %sign3A_37 : i1 to i32
      %sign3A_39 = arith.subi %sign3A_35, %sign3A_38 : i32
      %ne3A = arith.cmpi ne, %sign3A_32, %sign3A_39 : i32
      %rem3A = arith.remsi %scan3A_26, %jit3A : i32
      %ne3A_40 = arith.constant 0 : i32
      %ne3A_41 = arith.cmpi ne, %rem3A, %ne3A_40 : i32
      %and3A = arith.andi %ne3A, %ne3A_41 : i1
      %sub3A = arith.constant 1 : i32
      %sub3A_42 = arith.subi %div3A, %sub3A : i32
      %select_n3A = arith.select %and3A, %sub3A_42, %div3A : i32
      %jit3A_43 = arith.constant 8 : i32
      %eq3A = arith.constant 0 : i32
      %eq3A_44 = arith.cmpi eq, %jit3A_43, %eq3A : i32
      %jit3A_45 = arith.constant 1 : i32
      %select_n3A_46 = arith.select %eq3A_44, %jit3A_45, %jit3A_43 : i32
      %rem3A_47 = arith.remsi %scan3A_26, %select_n3A_46 : i32
      %ne3A_48 = arith.constant 0 : i32
      %ne3A_49 = arith.cmpi ne, %rem3A_47, %ne3A_48 : i32
      %lt3A = arith.constant 0 : i32
      %lt3A_50 = arith.cmpi slt, %rem3A_47, %lt3A : i32
      %lt3A_51 = arith.constant 0 : i32
      %lt3A_52 = arith.cmpi slt, %select_n3A_46, %lt3A_51 : i32
      %ne3A_53 = arith.xori %lt3A_50, %lt3A_52 : i1
      %and3A_54 = arith.andi %ne3A_53, %ne3A_49 : i1
      %add3A_55 = arith.addi %rem3A_47, %select_n3A_46 : i32
      %select_n3A_56 = arith.select %and3A_54, %add3A_55, %rem3A_47 : i32
      %mul3A_57 = arith.constant 16 : i32
      %mul3A_58 = arith.muli %select_n3A_56, %mul3A_57 : i32
      %swap3A = arith.index_cast %select_n3A : i32 to index
      %swap3A_59 = arith.index_cast %mul3A_58 : i32 to index
      %swap3A_60 = tpu.vector_load %arg8[%swap3A, %swap3A_59] {strides = array<i32>} : memref<128x128xf32, #tpu.memory_space<vmem>>, vector<1x16xf32>,
      %swap3A_61 = vector.shape_cast %swap3A_60 : vector<1x16xf32> to vector<16xf32>
      %swap3A_62 = vector.shape_cast %broadcast_in_dim3A_1 : vector<16xf32> to vector<1x16xf32>
      tpu.vector_store %arg8[%swap3A, %swap3A_59], %swap3A_62 {strides = array<i32>} : memref<128x128xf32, #tpu.memory_space<vmem>>, vector<1x16xf32>,
    }
    %scan3A_6 = arith.constant 1024 : i32
    %mul3A_7 = arith.constant 632 : i32
    %mul3A_8 = arith.muli %arg1, %mul3A_7 : i32
    %add3A_9 = arith.constant 0 : i32
    %add3A_10 = arith.addi %mul3A_8, %add3A_9 : i32
    "tpu.region"() ({
      %run_scoped3A = tpu.sem_alloc : memref<!tpu.dma_semaphore, #tpu.memory_space<semaphore_mem>>
      %dma_start3A = arith.constant 0 : i32
      %dma_start3A_26 = tpu.memref_slice %arg10[%add3A_10, %dma_start3A] : memref<10112x128xf32, #tpu.memory_space<vmem_shared>> -> memref<128x128xf32, #tpu.memory_space<vmem_shared>>
      %dma_start3A_27 = arith.constant 0 : i32
      %dma_start3A_28 = tpu.memref_slice %arg10[%add3A_10, %dma_start3A_27] : memref<10112x128xf32, #tpu.memory_space<vmem_shared>> -> memref<128x128xf32, #tpu.memory_space<vmem_shared>>
      tpu.enqueue_dma source(%arg8 : memref<128x128xf32, #tpu.memory_space<vmem>>) target(%dma_start3A_28 : memref<128x128xf32, #tpu.memory_space<vmem_shared>>) target_semaphore(%run_scoped3A : memref<!tpu.dma_semaphore, #tpu.memory_space<semaphore_mem>>)
      %dma_wait3A = arith.constant 0 : i32
      %dma_wait3A_29 = tpu.memref_slice %arg10[%add3A_10, %dma_wait3A] : memref<10112x128xf32, #tpu.memory_space<vmem_shared>> -> memref<128x128xf32, #tpu.memory_space<vmem_shared>>
      %dma_wait3A_30 = arith.constant 0 : i32
      %dma_wait3A_31 = tpu.memref_slice %arg10[%add3A_10, %dma_wait3A_30] : memref<10112x128xf32, #tpu.memory_space<vmem_shared>> -> memref<128x128xf32, #tpu.memory_space<vmem_shared>>
      tpu.wait_dma2 semaphore(%run_scoped3A : memref<!tpu.dma_semaphore, #tpu.memory_space<semaphore_mem>>) src(%arg8 : memref<128x128xf32, #tpu.memory_space<vmem>>) dst(%dma_wait3A_31 : memref<128x128xf32, #tpu.memory_space<vmem_shared>>)
      tpu.yield
    }) : () -> ()
    %add3A_11 = arith.constant 128 : i32
    %add3A_12 = arith.addi %mul3A_8, %add3A_11 : i32
    "tpu.region"() ({
      %run_scoped3A = tpu.sem_alloc : memref<!tpu.dma_semaphore, #tpu.memory_space<semaphore_mem>>
      %dma_start3A = arith.constant 0 : i32
      %dma_start3A_26 = tpu.memref_slice %arg10[%add3A_12, %dma_start3A] : memref<10112x128xf32, #tpu.memory_space<vmem_shared>> -> memref<128x128xf32, #tpu.memory_space<vmem_shared>>
      %dma_start3A_27 = arith.constant 0 : i32
      %dma_start3A_28 = tpu.memref_slice %arg10[%add3A_12, %dma_start3A_27] : memref<10112x128xf32, #tpu.memory_space<vmem_shared>> -> memref<128x128xf32, #tpu.memory_space<vmem_shared>>
      tpu.enqueue_dma source(%arg8 : memref<128x128xf32, #tpu.memory_space<vmem>>) target(%dma_start3A_28 : memref<128x128xf32, #tpu.memory_space<vmem_shared>>) target_semaphore(%run_scoped3A : memref<!tpu.dma_semaphore, #tpu.memory_space<semaphore_mem>>)
      %dma_wait3A = arith.constant 0 : i32
      %dma_wait3A_29 = tpu.memref_slice %arg10[%add3A_12, %dma_wait3A] : memref<10112x128xf32, #tpu.memory_space<vmem_shared>> -> memref<128x128xf32, #tpu.memory_space<vmem_shared>>
      %dma_wait3A_30 = arith.constant 0 : i32
      %dma_wait3A_31 = tpu.memref_slice %arg10[%add3A_12, %dma_wait3A_30] : memref<10112x128xf32, #tpu.memory_space<vmem_shared>> -> memref<128x128xf32, #tpu.memory_space<vmem_shared>>
      tpu.wait_dma2 semaphore(%run_scoped3A : memref<!tpu.dma_semaphore, #tpu.memory_space<semaphore_mem>>) src(%arg8 : memref<128x128xf32, #tpu.memory_space<vmem>>) dst(%dma_wait3A_31 : memref<128x128xf32, #tpu.memory_space<vmem_shared>>)
      tpu.yield
    }) : () -> ()
    %add3A_13 = arith.constant 256 : i32
    %add3A_14 = arith.addi %mul3A_8, %add3A_13 : i32
    "tpu.region"() ({
      %run_scoped3A = tpu.sem_alloc : memref<!tpu.dma_semaphore, #tpu.memory_space<semaphore_mem>>
      %dma_start3A = arith.constant 0 : i32
      %dma_start3A_26 = tpu.memref_slice %arg10[%add3A_14, %dma_start3A] : memref<10112x128xf32, #tpu.memory_space<vmem_shared>> -> memref<128x128xf32, #tpu.memory_space<vmem_shared>>
      %dma_start3A_27 = arith.constant 0 : i32
      %dma_start3A_28 = tpu.memref_slice %arg10[%add3A_14, %dma_start3A_27] : memref<10112x128xf32, #tpu.memory_space<vmem_shared>> -> memref<128x128xf32, #tpu.memory_space<vmem_shared>>
      tpu.enqueue_dma source(%arg8 : memref<128x128xf32, #tpu.memory_space<vmem>>) target(%dma_start3A_28 : memref<128x128xf32, #tpu.memory_space<vmem_shared>>) target_semaphore(%run_scoped3A : memref<!tpu.dma_semaphore, #tpu.memory_space<semaphore_mem>>)
      %dma_wait3A = arith.constant 0 : i32
      %dma_wait3A_29 = tpu.memref_slice %arg10[%add3A_14, %dma_wait3A] : memref<10112x128xf32, #tpu.memory_space<vmem_shared>> -> memref<128x128xf32, #tpu.memory_space<vmem_shared>>
      %dma_wait3A_30 = arith.constant 0 : i32
      %dma_wait3A_31 = tpu.memref_slice %arg10[%add3A_14, %dma_wait3A_30] : memref<10112x128xf32, #tpu.memory_space<vmem_shared>> -> memref<128x128xf32, #tpu.memory_space<vmem_shared>>
      tpu.wait_dma2 semaphore(%run_scoped3A : memref<!tpu.dma_semaphore, #tpu.memory_space<semaphore_mem>>) src(%arg8 : memref<128x128xf32, #tpu.memory_space<vmem>>) dst(%dma_wait3A_31 : memref<128x128xf32, #tpu.memory_space<vmem_shared>>)
      tpu.yield
    }) : () -> ()
    %add3A_15 = arith.constant 384 : i32
    %add3A_16 = arith.addi %mul3A_8, %add3A_15 : i32
    "tpu.region"() ({
      %run_scoped3A = tpu.sem_alloc : memref<!tpu.dma_semaphore, #tpu.memory_space<semaphore_mem>>
      %dma_start3A = arith.constant 0 : i32
      %dma_start3A_26 = tpu.memref_slice %arg10[%add3A_16, %dma_start3A] : memref<10112x128xf32, #tpu.memory_space<vmem_shared>> -> memref<128x128xf32, #tpu.memory_space<vmem_shared>>
      %dma_start3A_27 = arith.constant 0 : i32
      %dma_start3A_28 = tpu.memref_slice %arg10[%add3A_16, %dma_start3A_27] : memref<10112x128xf32, #tpu.memory_space<vmem_shared>> -> memref<128x128xf32, #tpu.memory_space<vmem_shared>>
      tpu.enqueue_dma source(%arg8 : memref<128x128xf32, #tpu.memory_space<vmem>>) target(%dma_start3A_28 : memref<128x128xf32, #tpu.memory_space<vmem_shared>>) target_semaphore(%run_scoped3A : memref<!tpu.dma_semaphore, #tpu.memory_space<semaphore_mem>>)
      %dma_wait3A = arith.constant 0 : i32
      %dma_wait3A_29 = tpu.memref_slice %arg10[%add3A_16, %dma_wait3A] : memref<10112x128xf32, #tpu.memory_space<vmem_shared>> -> memref<128x128xf32, #tpu.memory_space<vmem_shared>>
      %dma_wait3A_30 = arith.constant 0 : i32
      %dma_wait3A_31 = tpu.memref_slice %arg10[%add3A_16, %dma_wait3A_30] : memref<10112x128xf32, #tpu.memory_space<vmem_shared>> -> memref<128x128xf32, #tpu.memory_space<vmem_shared>>
      tpu.wait_dma2 semaphore(%run_scoped3A : memref<!tpu.dma_semaphore, #tpu.memory_space<semaphore_mem>>) src(%arg8 : memref<128x128xf32, #tpu.memory_space<vmem>>) dst(%dma_wait3A_31 : memref<128x128xf32, #tpu.memory_space<vmem_shared>>)
      tpu.yield
    }) : () -> ()
    %add3A_17 = arith.constant 512 : i32
    %add3A_18 = arith.addi %mul3A_8, %add3A_17 : i32
    "tpu.region"() ({
      %run_scoped3A = tpu.sem_alloc : memref<!tpu.dma_semaphore, #tpu.memory_space<semaphore_mem>>
      %dma_start3A = arith.constant 0 : i32
      %dma_start3A_26 = arith.constant 0 : i32
      %dma_start3A_27 = tpu.memref_slice %arg8[%dma_start3A, %dma_start3A_26] : memref<128x128xf32, #tpu.memory_space<vmem>> -> memref<120x128xf32, #tpu.memory_space<vmem>>
      %dma_start3A_28 = arith.constant 0 : i32
      %dma_start3A_29 = tpu.memref_slice %arg10[%add3A_18, %dma_start3A_28] : memref<10112x128xf32, #tpu.memory_space<vmem_shared>> -> memref<120x128xf32, #tpu.memory_space<vmem_shared>>
      %dma_start3A_30 = arith.constant 0 : i32
      %dma_start3A_31 = tpu.memref_slice %arg10[%add3A_18, %dma_start3A_30] : memref<10112x128xf32, #tpu.memory_space<vmem_shared>> -> memref<120x128xf32, #tpu.memory_space<vmem_shared>>
      %dma_start3A_32 = arith.constant 0 : i32
      %dma_start3A_33 = arith.constant 0 : i32
      %dma_start3A_34 = tpu.memref_slice %arg8[%dma_start3A_32, %dma_start3A_33] : memref<128x128xf32, #tpu.memory_space<vmem>> -> memref<120x128xf32, #tpu.memory_space<vmem>>
      tpu.enqueue_dma source(%dma_start3A_34 : memref<120x128xf32, #tpu.memory_space<vmem>>) target(%dma_start3A_31 : memref<120x128xf32, #tpu.memory_space<vmem_shared>>) target_semaphore(%run_scoped3A : memref<!tpu.dma_semaphore, #tpu.memory_space<semaphore_mem>>)
      %dma_wait3A = arith.constant 0 : i32
      %dma_wait3A_35 = arith.constant 0 : i32
      %dma_wait3A_36 = tpu.memref_slice %arg8[%dma_wait3A, %dma_wait3A_35] : memref<128x128xf32, #tpu.memory_space<vmem>> -> memref<120x128xf32, #tpu.memory_space<vmem>>
      %dma_wait3A_37 = arith.constant 0 : i32
      %dma_wait3A_38 = tpu.memref_slice %arg10[%add3A_18, %dma_wait3A_37] : memref<10112x128xf32, #tpu.memory_space<vmem_shared>> -> memref<120x128xf32, #tpu.memory_space<vmem_shared>>
      %dma_wait3A_39 = arith.constant 0 : i32
      %dma_wait3A_40 = tpu.memref_slice %arg10[%add3A_18, %dma_wait3A_39] : memref<10112x128xf32, #tpu.memory_space<vmem_shared>> -> memref<120x128xf32, #tpu.memory_space<vmem_shared>>
      %dma_wait3A_41 = arith.constant 0 : i32
      %dma_wait3A_42 = arith.constant 0 : i32
      %dma_wait3A_43 = tpu.memref_slice %arg8[%dma_wait3A_41, %dma_wait3A_42] : memref<128x128xf32, #tpu.memory_space<vmem>> -> memref<120x128xf32, #tpu.memory_space<vmem>>
      tpu.wait_dma2 semaphore(%run_scoped3A : memref<!tpu.dma_semaphore, #tpu.memory_space<semaphore_mem>>) src(%dma_wait3A_43 : memref<120x128xf32, #tpu.memory_space<vmem>>) dst(%dma_wait3A_40 : memref<120x128xf32, #tpu.memory_space<vmem_shared>>)
      tpu.yield
    }) : () -> ()
    "tpu.region"() ({
      %run_scoped3A = tpu.sem_alloc : memref<!tpu.dma_semaphore, #tpu.memory_space<semaphore_mem>>
      %dma_start3A = arith.constant 0 : i32
      %dma_start3A_26 = arith.constant 0 : i32
      %dma_start3A_27 = tpu.memref_slice %arg3[%add3A, %dma_start3A, %dma_start3A_26] : memref<32x80x128xi32, #tpu.memory_space<hbm>> -> memref<1x80x128xi32, #tpu.memory_space<hbm>>
      %dma_start3A_28 = tpu.memref_squeeze %dma_start3A_27 : memref<1x80x128xi32, #tpu.memory_space<hbm>> -> memref<80x128xi32, #tpu.memory_space<hbm>>
      %dma_start3A_29 = arith.constant 0 : i32
      %dma_start3A_30 = arith.constant 0 : i32
      %dma_start3A_31 = tpu.memref_slice %arg3[%add3A, %dma_start3A_29, %dma_start3A_30] : memref<32x80x128xi32, #tpu.memory_space<hbm>> -> memref<1x80x128xi32, #tpu.memory_space<hbm>>
      %dma_start3A_32 = tpu.memref_squeeze %dma_start3A_31 : memref<1x80x128xi32, #tpu.memory_space<hbm>> -> memref<80x128xi32, #tpu.memory_space<hbm>>
      tpu.enqueue_dma source(%dma_start3A_32 : memref<80x128xi32, #tpu.memory_space<hbm>>) target(%arg6 : memref<80x128xi32, #tpu.memory_space<vmem>>) target_semaphore(%run_scoped3A : memref<!tpu.dma_semaphore, #tpu.memory_space<semaphore_mem>>)
      %dma_wait3A = arith.constant 0 : i32
      %dma_wait3A_33 = arith.constant 0 : i32
      %dma_wait3A_34 = tpu.memref_slice %arg3[%add3A, %dma_wait3A, %dma_wait3A_33] : memref<32x80x128xi32, #tpu.memory_space<hbm>> -> memref<1x80x128xi32, #tpu.memory_space<hbm>>
      %dma_wait3A_35 = tpu.memref_squeeze %dma_wait3A_34 : memref<1x80x128xi32, #tpu.memory_space<hbm>> -> memref<80x128xi32, #tpu.memory_space<hbm>>
      %dma_wait3A_36 = arith.constant 0 : i32
      %dma_wait3A_37 = arith.constant 0 : i32
      %dma_wait3A_38 = tpu.memref_slice %arg3[%add3A, %dma_wait3A_36, %dma_wait3A_37] : memref<32x80x128xi32, #tpu.memory_space<hbm>> -> memref<1x80x128xi32, #tpu.memory_space<hbm>>
      %dma_wait3A_39 = tpu.memref_squeeze %dma_wait3A_38 : memref<1x80x128xi32, #tpu.memory_space<hbm>> -> memref<80x128xi32, #tpu.memory_space<hbm>>
      tpu.wait_dma2 semaphore(%run_scoped3A : memref<!tpu.dma_semaphore, #tpu.memory_space<semaphore_mem>>) src(%dma_wait3A_39 : memref<80x128xi32, #tpu.memory_space<hbm>>) dst(%arg6 : memref<80x128xi32, #tpu.memory_space<vmem>>)
      tpu.yield
    }) : () -> ()
    "tpu.region"() ({
      %run_scoped3A = tpu.sem_alloc : memref<!tpu.dma_semaphore, #tpu.memory_space<semaphore_mem>>
      %dma_start3A = arith.constant 0 : i32
      %dma_start3A_26 = arith.constant 0 : i32
      %dma_start3A_27 = tpu.memref_slice %arg4[%add3A, %dma_start3A, %dma_start3A_26] : memref<32x80x128xi32, #tpu.memory_space<hbm>> -> memref<1x80x128xi32, #tpu.memory_space<hbm>>
      %dma_start3A_28 = tpu.memref_squeeze %dma_start3A_27 : memref<1x80x128xi32, #tpu.memory_space<hbm>> -> memref<80x128xi32, #tpu.memory_space<hbm>>
      %dma_start3A_29 = arith.constant 0 : i32
      %dma_start3A_30 = arith.constant 0 : i32
      %dma_start3A_31 = tpu.memref_slice %arg4[%add3A, %dma_start3A_29, %dma_start3A_30] : memref<32x80x128xi32, #tpu.memory_space<hbm>> -> memref<1x80x128xi32, #tpu.memory_space<hbm>>
      %dma_start3A_32 = tpu.memref_squeeze %dma_start3A_31 : memref<1x80x128xi32, #tpu.memory_space<hbm>> -> memref<80x128xi32, #tpu.memory_space<hbm>>
      tpu.enqueue_dma source(%dma_start3A_32 : memref<80x128xi32, #tpu.memory_space<hbm>>) target(%arg7 : memref<80x128xi32, #tpu.memory_space<vmem>>) target_semaphore(%run_scoped3A : memref<!tpu.dma_semaphore, #tpu.memory_space<semaphore_mem>>)
      %dma_wait3A = arith.constant 0 : i32
      %dma_wait3A_33 = arith.constant 0 : i32
      %dma_wait3A_34 = tpu.memref_slice %arg4[%add3A, %dma_wait3A, %dma_wait3A_33] : memref<32x80x128xi32, #tpu.memory_space<hbm>> -> memref<1x80x128xi32, #tpu.memory_space<hbm>>
      %dma_wait3A_35 = tpu.memref_squeeze %dma_wait3A_34 : memref<1x80x128xi32, #tpu.memory_space<hbm>> -> memref<80x128xi32, #tpu.memory_space<hbm>>
      %dma_wait3A_36 = arith.constant 0 : i32
      %dma_wait3A_37 = arith.constant 0 : i32
      %dma_wait3A_38 = tpu.memref_slice %arg4[%add3A, %dma_wait3A_36, %dma_wait3A_37] : memref<32x80x128xi32, #tpu.memory_space<hbm>> -> memref<1x80x128xi32, #tpu.memory_space<hbm>>
      %dma_wait3A_39 = tpu.memref_squeeze %dma_wait3A_38 : memref<1x80x128xi32, #tpu.memory_space<hbm>> -> memref<80x128xi32, #tpu.memory_space<hbm>>
      tpu.wait_dma2 semaphore(%run_scoped3A : memref<!tpu.dma_semaphore, #tpu.memory_space<semaphore_mem>>) src(%dma_wait3A_39 : memref<80x128xi32, #tpu.memory_space<hbm>>) dst(%arg7 : memref<80x128xi32, #tpu.memory_space<vmem>>)
      tpu.yield
    }) : () -> ()
    %barrier3A = arith.constant 0 : index
    tpu.barrier barrier_id(%barrier3A)
    %scan3A_19 = arith.constant 0 : i32
    %scan3A_20 = arith.constant 0 : i32
    %scan3A_21 = arith.constant 80 : i32
    %scan3A_22 = arith.addi %scan3A_20, %scan3A_21 : i32
    %scan3A_23 = arith.constant 1 : i32
    scf.for %scan3A_26 = %scan3A_20 to %scan3A_22 step %scan3A_23  : i32 {
      %dma_start3A = arith.constant 0 : i32
      %dma_start3A_27 = tpu.memref_slice %arg6[%scan3A_26, %dma_start3A] : memref<80x128xi32, #tpu.memory_space<vmem>> -> memref<1x128xi32, #tpu.memory_space<vmem>>
      %dma_start3A_28 = tpu.memref_squeeze %dma_start3A_27 : memref<1x128xi32, #tpu.memory_space<vmem>> -> memref<128xi32, #tpu.memory_space<vmem>>
      %dma_start3A_29 = arith.constant 0 : i32
      %dma_start3A_30 = arith.constant 0 : i32
      %dma_start3A_31 = tpu.memref_slice %arg2[%dma_start3A_29, %dma_start3A_30] : memref<10000x128xf32, #tpu.memory_space<hbm>> -> memref<10000x128xf32, #tpu.memory_space<hbm>>
      tpu.enqueue_indirect_dma source(%dma_start3A_31 : memref<10000x128xf32, #tpu.memory_space<hbm>>) target(%arg8 : memref<128x128xf32, #tpu.memory_space<vmem>>) offsets(%dma_start3A_28 : memref<128xi32, #tpu.memory_space<vmem>>) semaphore(%arg9 : memref<!tpu.dma_semaphore, #tpu.memory_space<semaphore_mem>>)
      %dma_wait3A = arith.constant 0 : i32
      %dma_wait3A_32 = tpu.memref_slice %arg6[%scan3A_26, %dma_wait3A] : memref<80x128xi32, #tpu.memory_space<vmem>> -> memref<1x128xi32, #tpu.memory_space<vmem>>
      %dma_wait3A_33 = tpu.memref_squeeze %dma_wait3A_32 : memref<1x128xi32, #tpu.memory_space<vmem>> -> memref<128xi32, #tpu.memory_space<vmem>>
      %dma_wait3A_34 = arith.constant 0 : i32
      %dma_wait3A_35 = arith.constant 0 : i32
      %dma_wait3A_36 = tpu.memref_slice %arg2[%dma_wait3A_34, %dma_wait3A_35] : memref<10000x128xf32, #tpu.memory_space<hbm>> -> memref<10000x128xf32, #tpu.memory_space<hbm>>
      tpu.wait_indirect_dma semaphore(%arg9 : memref<!tpu.dma_semaphore, #tpu.memory_space<semaphore_mem>>) src(%dma_wait3A_36 : memref<10000x128xf32, #tpu.memory_space<hbm>>) dst(%arg8 : memref<128x128xf32, #tpu.memory_space<vmem>>)
      "tpu.region"() ({
        %run_scoped3A = tpu.sem_alloc : memref<!tpu.dma_semaphore, #tpu.memory_space<semaphore_mem>>
        %dma_start3A_37 = arith.constant 0 : i32
        %dma_start3A_38 = tpu.memref_slice %arg7[%scan3A_26, %dma_start3A_37] : memref<80x128xi32, #tpu.memory_space<vmem>> -> memref<1x128xi32, #tpu.memory_space<vmem>>
        %dma_start3A_39 = tpu.memref_squeeze %dma_start3A_38 : memref<1x128xi32, #tpu.memory_space<vmem>> -> memref<128xi32, #tpu.memory_space<vmem>>
        %dma_start3A_40 = arith.constant 0 : i32
        %dma_start3A_41 = arith.constant 0 : i32
        %dma_start3A_42 = tpu.memref_slice %arg10[%dma_start3A_40, %dma_start3A_41] : memref<10112x128xf32, #tpu.memory_space<vmem_shared>> -> memref<10112x128xf32, #tpu.memory_space<vmem_shared>>
        tpu.enqueue_indirect_dma source(%arg8 : memref<128x128xf32, #tpu.memory_space<vmem>>) target(%dma_start3A_42 : memref<10112x128xf32, #tpu.memory_space<vmem_shared>>) offsets(%dma_start3A_39 : memref<128xi32, #tpu.memory_space<vmem>>) semaphore(%run_scoped3A : memref<!tpu.dma_semaphore, #tpu.memory_space<semaphore_mem>>) {add = true}
        %dma_wait3A_43 = arith.constant 0 : i32
        %dma_wait3A_44 = tpu.memref_slice %arg7[%scan3A_26, %dma_wait3A_43] : memref<80x128xi32, #tpu.memory_space<vmem>> -> memref<1x128xi32, #tpu.memory_space<vmem>>
        %dma_wait3A_45 = tpu.memref_squeeze %dma_wait3A_44 : memref<1x128xi32, #tpu.memory_space<vmem>> -> memref<128xi32, #tpu.memory_space<vmem>>
        %dma_wait3A_46 = arith.constant 0 : i32
        %dma_wait3A_47 = arith.constant 0 : i32
        %dma_wait3A_48 = tpu.memref_slice %arg10[%dma_wait3A_46, %dma_wait3A_47] : memref<10112x128xf32, #tpu.memory_space<vmem_shared>> -> memref<10112x128xf32, #tpu.memory_space<vmem_shared>>
        tpu.wait_indirect_dma semaphore(%run_scoped3A : memref<!tpu.dma_semaphore, #tpu.memory_space<semaphore_mem>>) src(%arg8 : memref<128x128xf32, #tpu.memory_space<vmem>>) dst(%dma_wait3A_48 : memref<10112x128xf32, #tpu.memory_space<vmem_shared>>)
        tpu.yield
      }) : () -> ()
    }
    %scan3A_24 = arith.constant 80 : i32
    %barrier3A_25 = arith.constant 0 : index
    tpu.barrier barrier_id(%barrier3A_25)
    "tpu.region"() ({
      %run_scoped3A = tpu.sem_alloc : memref<!tpu.dma_semaphore, #tpu.memory_space<semaphore_mem>>
      %dma_start3A = arith.constant 0 : i32
      %dma_start3A_26 = tpu.memref_slice %arg5[%arg0, %mul3A_8, %dma_start3A] : memref<2x10112x128xf32, #tpu.memory_space<hbm>> -> memref<1x632x128xf32, #tpu.memory_space<hbm>>
      %dma_start3A_27 = tpu.memref_squeeze %dma_start3A_26 : memref<1x632x128xf32, #tpu.memory_space<hbm>> -> memref<632x128xf32, #tpu.memory_space<hbm>>
      %dma_start3A_28 = arith.constant 0 : i32
      %dma_start3A_29 = tpu.memref_slice %arg10[%mul3A_8, %dma_start3A_28] : memref<10112x128xf32, #tpu.memory_space<vmem_shared>> -> memref<632x128xf32, #tpu.memory_space<vmem_shared>>
      tpu.enqueue_dma source(%dma_start3A_29 : memref<632x128xf32, #tpu.memory_space<vmem_shared>>) target(%dma_start3A_27 : memref<632x128xf32, #tpu.memory_space<hbm>>) target_semaphore(%run_scoped3A : memref<!tpu.dma_semaphore, #tpu.memory_space<semaphore_mem>>)
      %dma_wait3A = arith.constant 0 : i32
      %dma_wait3A_30 = tpu.memref_slice %arg5[%arg0, %mul3A_8, %dma_wait3A] : memref<2x10112x128xf32, #tpu.memory_space<hbm>> -> memref<1x632x128xf32, #tpu.memory_space<hbm>>
      %dma_wait3A_31 = tpu.memref_squeeze %dma_wait3A_30 : memref<1x632x128xf32, #tpu.memory_space<hbm>> -> memref<632x128xf32, #tpu.memory_space<hbm>>
      %dma_wait3A_32 = arith.constant 0 : i32
      %dma_wait3A_33 = tpu.memref_slice %arg10[%mul3A_8, %dma_wait3A_32] : memref<10112x128xf32, #tpu.memory_space<vmem_shared>> -> memref<632x128xf32, #tpu.memory_space<vmem_shared>>
      tpu.wait_dma2 semaphore(%run_scoped3A : memref<!tpu.dma_semaphore, #tpu.memory_space<semaphore_mem>>) src(%dma_wait3A_33 : memref<632x128xf32, #tpu.memory_space<vmem_shared>>) dst(%dma_wait3A_31 : memref<632x128xf32, #tpu.memory_space<hbm>>)
      tpu.yield
    }) : () -> ()
    return
  }
}

module attributes {stable_mosaic.version = 14 : i64} {
  func.func @_dense_body(%arg0: memref<10000x128xf32, #tpu.memory_space<vmem>>, %arg1: memref<128x128xf32, #tpu.memory_space<vmem>>, %arg2: memref<10000x2xf32, #tpu.memory_space<vmem>>, %arg3: memref<10000x128xf32, #tpu.memory_space<vmem>>) attributes {dimension_semantics = [], scalar_prefetch = 0 : i64, scratch_operands = 0 : i64, tpu.core_type = #tpu.core_type<tc>} {
    %get3A = arith.constant 0 : index
    %get3A_0 = arith.constant 0 : index
    %get3A_1 = vector.load %arg1[%get3A, %get3A_0] : memref<128x128xf32, #tpu.memory_space<vmem>>, vector<128x128xf32>
    %mul3A = arith.mulf %get3A_1, %get3A_1 : vector<128x128xf32>
    %reduce_sum3A = arith.constant dense<0.000000e+00> : vector<128xf32>
    %reduce_sum3A_2 = vector.multi_reduction <add>, %mul3A, %reduce_sum3A [0] : vector<128x128xf32> to vector<128xf32>
    %broadcast_in_dim3A = vector.shape_cast %reduce_sum3A_2 : vector<128xf32> to vector<1x128xf32>
    %sqrt3A = math.sqrt %broadcast_in_dim3A : vector<1x128xf32>
    %gt3A = arith.constant 1.000000e+00 : f32
    %gt3A_3 = vector.broadcast %gt3A : f32 to vector<1x128xf32>
    %gt3A_4 = arith.cmpf ogt, %sqrt3A, %gt3A_3 : vector<1x128xf32>
    %div3A = arith.constant 1.000000e+00 : f32
    %div3A_5 = vector.broadcast %div3A : f32 to vector<1x128xf32>
    %div3A_6 = arith.divf %div3A_5, %sqrt3A : vector<1x128xf32>
    %jit3A = arith.constant 1.000000e+00 : f32
    %broadcast_in_dim3A_7 = vector.broadcast %jit3A : f32 to vector<1x128xf32>
    %select_n3A = arith.select %gt3A_4, %div3A_6, %broadcast_in_dim3A_7 : vector<1x128xi1>, vector<1x128xf32>
    %get3A_8 = arith.constant 0 : index
    %get3A_9 = arith.constant 0 : index
    %get3A_10 = vector.load %arg0[%get3A_8, %get3A_9] : memref<10000x128xf32, #tpu.memory_space<vmem>>, vector<10000x128xf32>
    %mul3A_11 = vector.broadcast %select_n3A : vector<1x128xf32> to vector<10000x128xf32>
    %mul3A_12 = arith.mulf %get3A_10, %mul3A_11 : vector<10000x128xf32>
    %dot_general3A = arith.constant dense<0.000000e+00> : vector<10000x128xf32>
    %dot_general3A_13 = tpu.matmul %mul3A_12, %get3A_1, %dot_general3A {dimension_numbers = #tpu.dot_dimension_numbers<[1], [1], [0], [0], [0, 0, 1, 0], [], []>, transpose_lhs_hint = false} : vector<10000x128xf32>, vector<128x128xf32>, vector<10000x128xf32> -> vector<10000x128xf32>
    %get3A_14 = arith.constant 0 : index
    %get3A_15 = arith.constant 0 : index
    %get3A_16 = vector.load %arg2[%get3A_14, %get3A_15] : memref<10000x2xf32, #tpu.memory_space<vmem>>, vector<10000x2xf32>
    %slice3A = vector.extract_strided_slice %get3A_16 {offsets = [0, 0], sizes = [10000, 1], strides = [1, 1]} : vector<10000x2xf32> to vector<10000x1xf32>
    %slice3A_17 = vector.extract_strided_slice %get3A_16 {offsets = [0, 1], sizes = [10000, 1], strides = [1, 1]} : vector<10000x2xf32> to vector<10000x1xf32>
    %add3A = arith.addf %slice3A, %slice3A_17 : vector<10000x1xf32>
    %add3A_18 = arith.constant 1.000000e+00 : f32
    %add3A_19 = vector.broadcast %add3A_18 : f32 to vector<10000x1xf32>
    %add3A_20 = arith.addf %add3A, %add3A_19 : vector<10000x1xf32>
    %sqrt3A_21 = math.sqrt %add3A_20 : vector<10000x1xf32>
    %div3A_22 = arith.constant 1.000000e+00 : f32
    %div3A_23 = vector.broadcast %div3A_22 : f32 to vector<10000x1xf32>
    %div3A_24 = arith.divf %div3A_23, %sqrt3A_21 : vector<10000x1xf32>
    %mul3A_25 = vector.broadcast %div3A_24 : vector<10000x1xf32> to vector<10000x128xf32>
    %mul3A_26 = arith.mulf %dot_general3A_13, %mul3A_25 : vector<10000x128xf32>
    %swap3A = arith.constant 0 : index
    %swap3A_27 = arith.constant 0 : index
    %swap3A_28 = vector.load %arg3[%swap3A, %swap3A_27] : memref<10000x128xf32, #tpu.memory_space<vmem>>, vector<10000x128xf32>
    tpu.vector_store %arg3[%swap3A, %swap3A_27], %mul3A_26 {strides = array<i32>} : memref<10000x128xf32, #tpu.memory_space<vmem>>, vector<10000x128xf32>,
    return
  }
}

module attributes {stable_mosaic.version = 14 : i64} {
  func.func @_combine_body(%arg0: memref<2x10112x128xf32, #tpu.memory_space<vmem>>, %arg1: memref<10000x128xf32, #tpu.memory_space<vmem>>, %arg2: memref<10000x2xf32, #tpu.memory_space<vmem>>, %arg3: memref<1x128xf32, #tpu.memory_space<vmem>>, %arg4: memref<10000x128xf32, #tpu.memory_space<vmem>>) attributes {dimension_semantics = [], scalar_prefetch = 0 : i64, scratch_operands = 0 : i64, tpu.core_type = #tpu.core_type<tc>} {
    %get3A = arith.constant 0 : index
    %get3A_0 = arith.constant 0 : index
    %get3A_1 = vector.load %arg2[%get3A, %get3A_0] : memref<10000x2xf32, #tpu.memory_space<vmem>>, vector<10000x2xf32>
    %slice3A = vector.extract_strided_slice %get3A_1 {offsets = [0, 0], sizes = [10000, 1], strides = [1, 1]} : vector<10000x2xf32> to vector<10000x1xf32>
    %slice3A_2 = vector.extract_strided_slice %get3A_1 {offsets = [0, 1], sizes = [10000, 1], strides = [1, 1]} : vector<10000x2xf32> to vector<10000x1xf32>
    %add3A = arith.addf %slice3A, %slice3A_2 : vector<10000x1xf32>
    %add3A_3 = arith.constant 1.000000e+00 : f32
    %add3A_4 = vector.broadcast %add3A_3 : f32 to vector<10000x1xf32>
    %add3A_5 = arith.addf %add3A, %add3A_4 : vector<10000x1xf32>
    %sqrt3A = math.sqrt %add3A_5 : vector<10000x1xf32>
    %div3A = arith.constant 1.000000e+00 : f32
    %div3A_6 = vector.broadcast %div3A : f32 to vector<10000x1xf32>
    %div3A_7 = arith.divf %div3A_6, %sqrt3A : vector<10000x1xf32>
    %get3A_8 = arith.constant 0 : index
    %get3A_9 = arith.constant 0 : index
    %get3A_10 = arith.constant 0 : index
    %get3A_11 = vector.load %arg0[%get3A_8, %get3A_9, %get3A_10] : memref<2x10112x128xf32, #tpu.memory_space<vmem>>, vector<1x10000x128xf32>
    %get3A_12 = vector.shape_cast %get3A_11 : vector<1x10000x128xf32> to vector<10000x128xf32>
    %get3A_13 = arith.constant 1 : index
    %get3A_14 = arith.constant 0 : index
    %get3A_15 = arith.constant 0 : index
    %get3A_16 = vector.load %arg0[%get3A_13, %get3A_14, %get3A_15] : memref<2x10112x128xf32, #tpu.memory_space<vmem>>, vector<1x10000x128xf32>
    %get3A_17 = vector.shape_cast %get3A_16 : vector<1x10000x128xf32> to vector<10000x128xf32>
    %add3A_18 = arith.addf %get3A_12, %get3A_17 : vector<10000x128xf32>
    %get3A_19 = arith.constant 0 : index
    %get3A_20 = arith.constant 0 : index
    %get3A_21 = vector.load %arg1[%get3A_19, %get3A_20] : memref<10000x128xf32, #tpu.memory_space<vmem>>, vector<10000x128xf32>
    %add3A_22 = arith.addf %add3A_18, %get3A_21 : vector<10000x128xf32>
    %mul3A = vector.broadcast %div3A_7 : vector<10000x1xf32> to vector<10000x128xf32>
    %mul3A_23 = arith.mulf %mul3A, %add3A_22 : vector<10000x128xf32>
    %get3A_24 = arith.constant 0 : index
    %get3A_25 = arith.constant 0 : index
    %get3A_26 = vector.load %arg3[%get3A_24, %get3A_25] : memref<1x128xf32, #tpu.memory_space<vmem>>, vector<1x128xf32>
    %add3A_27 = vector.broadcast %get3A_26 : vector<1x128xf32> to vector<10000x128xf32>
    %add3A_28 = arith.addf %mul3A_23, %add3A_27 : vector<10000x128xf32>
    %swap3A = arith.constant 0 : index
    %swap3A_29 = arith.constant 0 : index
    %swap3A_30 = vector.load %arg4[%swap3A, %swap3A_29] : memref<10000x128xf32, #tpu.memory_space<vmem>>, vector<10000x128xf32>
    tpu.vector_store %arg4[%swap3A, %swap3A_29], %add3A_28 {strides = array<i32>} : memref<10000x128xf32, #tpu.memory_space<vmem>>, vector<10000x128xf32>,
    return
  }
}

</mosaic_0001>

<sc_bundles>
// kernel: kernel.6.cloned.1.call-start
scs
__scs_entry_jumppad:
0x0: {  	(pc) =	sbr.rel $0x88, $3  }
0x1: {  	(tag) =	ssettag $0x0;
	lr =	simm.s32 $0x1  }
0x2: {  	[smem:$0x3F9D] =	sst lr;
	_ =	strace $0xD0000000  }
0x3: {  	_ = 	snop  }
0x4: {  	_ = 	snop  }
0x5: {  	_ = 	snop  }
0x6: {  	_ = 	snop  }
0x7: {  	_ = 	snop  }
__scs_overlays_trampoline_lowered:
0x8: {  	[smem:$0x3FAC] =	sst s0  }
0x9: {  	[smem:$0x3FAD] =	sst s1  }
0xa: {  	[smem:$0x3FAE] =	sst s2  }
0xb: {  	[smem:$0x3FAF] =	sst s3  }
0xc: {  	[smem:$0x3FB0] =	sst s4  }
0xd: {  	[smem:$0x3FB1] =	sst s5  }
0xe: {  	[smem:$0x3FB2] =	sst s6  }
0xf: {  	[smem:$0x3FB3] =	sst s7  }
0x10: {  	[smem:$0x3FB4] =	sst s8  }
0x11: {  	[smem:$0x3FB5] =	sst s9;
	s0 =	simm.s32 @!p0 $0x0  }
0x12: {  	s1 =	sld [smem:$0x3F9B];
	s0 =	simm.s32 @p0 $0x1  }
0x13: {  	[smem:$0x3FB6] =	sst s0;
	s0 =	simm.s32 @!p1 $0x0  }
0x14: {  	s2 =	sld [smem:$0x3F9A];
	s0 =	simm.s32 @p1 $0x1  }
0x15: {  	[smem:$0x3FB7] =	sst s0;
	s0 =	simm.s32 @!p2 $0x0  }
0x16: {  	s3 =	sld [smem:$0x3FDB];
	s0 =	simm.s32 @p2 $0x1  }
0x17: {  	s4 =	simm.s32 $0x1BF5;
	[smem:$0x3FB9] =	sst s0  }
0x18: {  	s0 =	sld [smem:$0x3F9C];
	_ =	swait.ge [sflag:s4], $0x0  }
0x19: {  	s7 =	sld [smem:$0x3F9D]  }
0x1a: {  	s8 =	sadd.s32 $0xFFFFE003, lr  }
0x1b: {  	s9 =	sadd.s32 $0xFFFFFEF7, lr;
	s5 =	simm.s32 $0xFFFFFFFF;
	p2 =	slt.u32 s8, $0xFFFFF086  }
0x1c: {  	p1 =	slt.u32 s9, $0xF7A;
	s5 =	simm.s32 @!p2 $0x0  }
0x1d: {  	s5 =	simm.s32 @p1 $0x1;
	p0 =	seq.s32 s7, s2  }
0x1e: {  	s7 =	smul.u32 @!p0 $0xF7A, s2;
	p2 =	seq.s32 @!p0 s5, $0x0  }
0x1f: {  	s9 =	smul.u32 $0xF7A, s1;
	s8 =	simm.s32 @!p0 $0x1BF5;
	p2 =	por !p2, p0  }
0x20: {  	[sflag:s8] =	ssyncset.s32 @!p0 $0xFFFFF086;
	s6 =	sadd.s32 @!p0 s3, s7;
	s7 =	simm.s32 @!p0 $0x108  }
0x21: {  	s3 =	sadd.s32 s3, s9;
	s6 =	sadd.s32 @!p0 $0x88, s6;
	s7 =	simm.s32 @p2 $0x1082  }
0x22: {  	[simem:s7], [sflag:s8] =	dma.local @!p0 [hbm:s6], $0xF7A  }
0x23: {  	s9 =	sor.u32 $0xD0000000, s2;
	s6 =	simm.s32 $0x108;
	_ =	swait.ge @!p0 [sflag:s8], $0x0  }
0x24: {  	s3 =	sadd.s32 $0x88, s3;
	s6 =	simm.s32 @!p1 $0x1082;
	[sflag:s4] =	ssyncset.s32 $0xFFFFF086  }
0x25: {  	[simem:s6], [sflag:s4] =	dma.local [hbm:s3], $0xF7A  }
0x26: {  	[smem:$0x3F9D] =	sst s1;
	(tag) =	ssettag s2;
	_ =	strace s9  }
0x27: {  	s1 =	sld [smem:$0x3FAD]  }
0x28: {  	s2 =	sld [smem:$0x3FAE]  }
0x29: {  	s4 =	sld [smem:$0x3FB0]  }
0x2a: {  	p0 =	seq.s32 s5, $0x0;
	s5 =	sld [smem:$0x3FB1]  }
0x2b: {  	s6 =	sld [smem:$0x3FB2]  }
0x2c: {  	s7 =	sld [smem:$0x3FB3]  }
0x2d: {  	s3 =	simm.s32 $0x108;
	s8 =	sld [smem:$0x3FB4]  }
0x2e: {  	s3 =	simm.s32 @!p0 $0x1082;
	s9 =	sld [smem:$0x3FB5]  }
0x2f: {  	lr =	sadd.s32 s0, s3;
	s0 =	sld [smem:$0x3FAC]  }
0x30: {  	s3 =	sld [smem:$0x3FAF]  }
0x31: {  	[smem:$0x3FB8] =	sst s10  }
0x32: {  	s10 =	sld [smem:$0x3FB6];
	_ =	sdelay $0x3  }
0x33: {  	p0 =	seq.s32 s10, $0x1;
	s10 =	sld [smem:$0x3FB8];
	_ =	sdelay $0x3  }
0x34: {  	[smem:$0x3FB8] =	sst s10  }
0x35: {  	s10 =	sld [smem:$0x3FB7];
	_ =	sdelay $0x3  }
0x36: {  	p1 =	seq.s32 s10, $0x1;
	s10 =	sld [smem:$0x3FB8];
	_ =	sdelay $0x3  }
0x37: {  	[smem:$0x3FB8] =	sst s10  }
0x38: {  	s10 =	sld [smem:$0x3FB9]  }
0x39: {  	_ = 	snop;
	(pc) =	sbr.ind lr, $3  }
0x3a: {  	_ = 	snop  }
0x3b: {  	_ = 	snop  }
0x3c: {  	p2 =	seq.s32 s10, $0x1;
	s10 =	sld [smem:$0x3FB8]  }
0x3d: {  	_ =	shalt  }
0x3e: {  	_ =	shalt  }
0x3f: {  	_ =	shalt  }
0x40: {  	_ =	shalt  }
0x41: {  	_ =	shalt  }
0x42: {  	_ =	shalt  }
0x43: {  	_ =	shalt  }
0x44: {  	_ =	shalt  }
0x45: {  	_ =	shalt  }
0x46: {  	_ =	shalt  }
0x47: {  	_ =	shalt  }
0x48: {  	_ =	shalt  }
0x49: {  	_ =	shalt  }
0x4a: {  	_ =	shalt  }
0x4b: {  	_ =	shalt  }
0x4c: {  	_ =	shalt  }
0x4d: {  	_ =	shalt  }
0x4e: {  	_ =	shalt  }
0x4f: {  	_ =	shalt  }
0x50: {  	_ =	shalt  }
0x51: {  	_ =	shalt  }
0x52: {  	_ =	shalt  }
0x53: {  	_ =	shalt  }
0x54: {  	_ =	shalt  }
0x55: {  	_ =	shalt  }
0x56: {  	_ =	shalt  }
0x57: {  	_ =	shalt  }
0x58: {  	_ =	shalt  }
0x59: {  	_ =	shalt  }
0x5a: {  	_ =	shalt  }
0x5b: {  	_ =	shalt  }
0x5c: {  	_ =	shalt  }
0x5d: {  	_ =	shalt  }
0x5e: {  	_ =	shalt  }
0x5f: {  	_ =	shalt  }
0x60: {  	_ =	shalt  }
0x61: {  	_ =	shalt  }
0x62: {  	_ =	shalt  }
0x63: {  	_ =	shalt  }
0x64: {  	_ =	shalt  }
0x65: {  	_ =	shalt  }
0x66: {  	_ =	shalt  }
0x67: {  	_ =	shalt  }
0x68: {  	_ =	shalt  }
0x69: {  	_ =	shalt  }
0x6a: {  	_ =	shalt  }
0x6b: {  	_ =	shalt  }
0x6c: {  	_ =	shalt  }
0x6d: {  	_ =	shalt  }
0x6e: {  	_ =	shalt  }
0x6f: {  	_ =	shalt  }
0x70: {  	_ =	shalt  }
0x71: {  	_ =	shalt  }
0x72: {  	_ =	shalt  }
0x73: {  	_ =	shalt  }
0x74: {  	_ =	shalt  }
0x75: {  	_ =	shalt  }
0x76: {  	_ =	shalt  }
0x77: {  	_ =	shalt  }
0x78: {  	_ =	shalt  }
0x79: {  	_ =	shalt  }
0x7a: {  	_ =	shalt  }
0x7b: {  	_ =	shalt  }
0x7c: {  	_ =	shalt  }
0x7d: {  	_ =	shalt  }
0x7e: {  	_ =	shalt  }
0x7f: {  	_ =	shalt  }
0x80: {  	_ =	shalt  }
0x81: {  	_ =	shalt  }
0x82: {  	_ =	shalt  }
0x83: {  	_ =	shalt  }
0x84: {  	_ =	shalt  }
0x85: {  	_ =	shalt  }
0x86: {  	_ =	shalt  }
0x87: {  	_ =	shalt  }
.Lfunc_end0:
.L_simem_size_0:
called_computation_lowered:
.L_overlay_start_0:
0x88: {  	s2 =	sld [smem:$0x3FD9]  }
0x89: {  	s3 =	sld [smem:$0x3FFE];
	_ =	sdelay $0x1  }
0x8a: {  	s1 =	srdreg.scid  }
0x8b: {  	s0 =	sand.u32 $0x1, s1  }
0x8c: {  	s17 =	sshll.u32 s0, $0xA;
	s2 =	sadd.s32 s3, s2  }
0x8d: {  	s2 =	sadd.s32 s2, s17  }
0x8e: {  	[smem:$0x3FC4] =	sst s2  }
0x8f: {  	_ = 	snop  }
0x90: {  	s2 =	sld [smem:$0x3FD0];
	(tm) =	ssettm $0x1  }
0x91: {  	s18 =	sld [smem:$0x3FFB];
	_ =	sdelay $0x3  }
0x92: {  	_ =	strace s18  }
0x93: {  	s3 =	sld [smem:$0x3FFC];
	_ =	sdelay $0x3  }
0x94: {  	_ =	strace s3  }
0x95: {  	s3 =	sld [smem:$0x3FFD];
	_ =	sdelay $0x3  }
0x96: {  	_ =	strace s3  }
0x97: {  	_ =	strace $0x8FFFFFFF  }
0x98: {  	s19 =	sld [smem:$0x3FDB];
	_ =	sdelay $0x1  }
0x99: {  	s4 =	simm.s32 $_scs_section_size  }
0x9a: {  	s5 =	simm.s32 $_size__tile_overlayer_lowered;
	s6 =	simm.s32 $_tile_overlayer_lowered  }
0x9b: {  	s22 =	simm.s32 $0x1BFF;
	s21 =	sshll.u32 s6, $0x1;
	s3 =	sadd.s32 s4, s19  }
0x9c: {  	s7 =	simm.s32 $0x0;
	s20 =	sshll.u32 s5, $0x1;
	s5 =	sadd.s32 s21, s3  }
0x9d: {  	[timem:s7], [sflag:s22] =	dma.local [hbm:s5], s20  }
0x9e: {  	_ =	swait.ge [sflag:s22], s20  }
0x9f: {  	s4 =	ssub.s32 $0x0, s20;
	[sflag:s22] =	ssyncset.done $0x0  }
0xa0: {  	[sflag:s22] =	ssyncadd.s32 s4;
	_ =	sdelay $0x1  }
0xa1: {  	s23 =	simm.s32 $0x1B8B  }
0xa2: {  	_ =	swait.ge [sflag:s23], $0x1  }
0xa3: {  	[sflag:s23] =	ssyncset.done $0x0  }
0xa4: {  	s25 =	simm.s32 $0x1B8E;
	s24 =	sld [smem:$0x3FFE];
	[sflag:s23] =	ssyncadd.s32 $0xFFFFFFFF  }
0xa5: {  	s26 =	simm.s32 $execute0_lowered;
	[smem:$0x3FD2] =	sst s25  }
0xa6: {  	s5 =	sshll.u32 s26, $0x1;
	_ =	strace $0x80000046;
	[dreg:$0x1] =	wrdreg $0xFFFFFFFF  }
0xa7: {  	s28 =	simm.s32 $_size_execute0_lowered;
	s3 =	sadd.s32 s3, s5;
	[dreg:$0x0] =	wrdreg $0x0  }
0xa8: {  	s5 =	sshll.u32 s28, $0x1;
	[dreg:$0x2] =	wrdreg s3  }
0xa9: {  	[dreg:$0x3] =	wrdreg s5  }
0xaa: {  	[dreg:$0x4] =	wrdreg $0xC0  }
0xab: {  	_ =	task [dreg:s7], $0x5FFFF  }
0xac: {  	[dreg:$0x1] =	wrdreg $0xFFFFFFFF  }
0xad: {  	[dreg:$0x0] =	wrdreg $0x60  }
0xae: {  	[dreg:$0x2] =	wrdreg s24  }
0xaf: {  	[dreg:$0x3] =	wrdreg s2  }
0xb0: {  	[dreg:$0x4] =	wrdreg $0x2B000  }
0xb1: {  	[dreg:$0x5] =	wrdreg $0x9  }
0xb2: {  	_ =	task.clear_ibuf [dreg:s7], $0x6FFFF;
	_ =	strace $0x90000046  }
0xb3: {  	s29 =	simm.s32 $0x9;
	_ =	strace $0x80000048  }
0xb4: {  	_ =	swait.ge [sflag:s29], $0x1  }
0xb5: {  	[sflag:s29] =	ssyncadd.s32 $0xFFFFFFFF  }
0xb6: {  	_ =	strace $0x90000048  }
0xb7: {  	_ =	sfence  }
0xb8: {  	s30 =	sld [smem:$0x0];
	_ =	sdelay $0x2  }
0xb9: {  	s31 =	sshll.u32 s1, $0xD;
	s1 =	sshrl.u32 s1, $0x2  }
0xba: {  	s3 =	sand.u32 $0x4000, s31;
	s1 =	sadd.s32 s1, s30  }
0xbb: {  	s0 =	sor.u32 s3, s0;
	s1 =	sshll.u32 s1, $0x11  }
0xbc: {  	s0 =	sor.u32 s1, s0  }
0xbd: {  	s0 =	sadd.s32 $0x8F2B, s0  }
0xbe: {  	[sflag:s0] =	ssyncadd.remote.s32 $0x1  }
0xbf: {  	_ =	sfence.sel $0xFFFF  }
0xc0: {  	[dreg:$0x0] =	wrdreg $0xFFFFFFFF;
	(pc) =	sbr.abs _section_cstart, $3  }
0xc1: {  	[dreg:$0x1] =	wrdreg $0xFFFFFFFF  }
0xc2: {  	_ =	task.clear_ibuf [dreg:s7], $0x2FFFF;
	_ =	strace $0x9FFFFFFF  }
0xc3: {  	(tm) =	ssettm $0x7FFFFFFF  }
tec
execute0_lowered:
.L_overlay_start_1:
0x0: {  	(tag) =	ssettag $0x1  }
0x1: {  	s4 =	rddreg [dreg:$0x0]  }
0x2: {  	s6 =	rddreg [dreg:$0x1];
	s0 =	srdreg.scid  }
0x3: {  	s2 =	rddreg [dreg:$0x2];
	s1 =	stileid.u32;
	s3 =	simm.s32 $0x0  }
0x4: {  	s11 =	simm.s32 $0x2800;
	s5 =	sand.u32 $0x1, s0;
	s0 =	rddreg [dreg:$0x3]  }
0x5: {  	s14 =	simm.s32 $0x0;
	s8 =	smul.u32 $0x280, s1;
	[smem:$0x7FF] =	sst s3  }
0x6: {  	s12 =	sshll.u32 s1, $0x6;
	s7 =	sshll.u32 s5, $0x4;
	s9 =	smul.u32 $0x2800, s5  }
0x7: {  	s5 =	ssub.s32 $0x2, s5;
	_ =	strace $0x80000047;
	s7 =	sor.u32 s1, s7  }
0x8: {  	s10 =	sshrl.u32 s5, $0x1;
	s7 =	smul.u32 $0x500, s7;
	s9 =	sadd.s32 s8, s9  }
0x9: {  	s12 =	sor.u32 $0x1C01, s12;
	s10 =	ssub.s32 s5, s10;
	s9 =	sshrl.u32 s9, $0x3  }
0xa: {  	s7 =	sadd.s32 s7, s4;
	s4 =	sadd.s32 s8, s2;
	s6 =	sadd.s32 s6, s9  }
0xb: {  	s8 =	simm.s32 $0x2880;
	s9 =	simm.s32 $0x1;
	s5 =	sadd.s32 $0x1A00, s7  }
0xc: {  	v0 =	vimm.f32 $0.0e+00;
	v1 =	vimm.f32 $1.000000000e+00;
	s7 =	smax.u32 s10, $0x1;
	s10 =	simm.s32 $0x80;
	s13 =	sshrl.u32 s4, $0x3  }
.LBB2_1:
0xd: {  	[tilespmem:$0x2880] =	vst v0  }
0xe: {  	[tilespmem:$0x2890] =	vst v0  }
0xf: {  	[tilespmem:$0x28A0] =	vst v0  }
0x10: {  	[tilespmem:$0x28B0] =	vst v0  }
0x11: {  	[tilespmem:$0x28C0] =	vst v0  }
0x12: {  	[tilespmem:$0x28D0] =	vst v0  }
0x13: {  	[tilespmem:$0x28E0] =	vst v0  }
0x14: {  	[tilespmem:$0x28F0] =	vst v0  }
0x15: {  	[tilespmem:$0x2900] =	vst v0  }
0x16: {  	[tilespmem:$0x2910] =	vst v0  }
0x17: {  	[tilespmem:$0x2920] =	vst v0  }
0x18: {  	[tilespmem:$0x2930] =	vst v0  }
0x19: {  	[tilespmem:$0x2940] =	vst v0  }
0x1a: {  	[tilespmem:$0x2950] =	vst v0  }
0x1b: {  	[tilespmem:$0x2960] =	vst v0  }
0x1c: {  	[tilespmem:$0x2970] =	vst v0  }
0x1d: {  	[tilespmem:$0x2980] =	vst v0  }
0x1e: {  	[tilespmem:$0x2990] =	vst v0  }
0x1f: {  	[tilespmem:$0x29A0] =	vst v0  }
0x20: {  	[tilespmem:$0x29B0] =	vst v0  }
0x21: {  	[tilespmem:$0x29C0] =	vst v0  }
0x22: {  	[tilespmem:$0x29D0] =	vst v0  }
0x23: {  	[tilespmem:$0x29E0] =	vst v0  }
0x24: {  	[tilespmem:$0x29F0] =	vst v0  }
0x25: {  	[tilespmem:$0x2A00] =	vst v0  }
0x26: {  	[tilespmem:$0x2A10] =	vst v0  }
0x27: {  	[tilespmem:$0x2A20] =	vst v0  }
0x28: {  	[tilespmem:$0x2A30] =	vst v0  }
0x29: {  	[tilespmem:$0x2A40] =	vst v0  }
0x2a: {  	[tilespmem:$0x2A50] =	vst v0  }
0x2b: {  	[tilespmem:$0x2A60] =	vst v0  }
0x2c: {  	[tilespmem:$0x2A70] =	vst v0  }
0x2d: {  	[tilespmem:$0x2A80] =	vst v0  }
0x2e: {  	[tilespmem:$0x2A90] =	vst v0  }
0x2f: {  	[tilespmem:$0x2AA0] =	vst v0  }
0x30: {  	[tilespmem:$0x2AB0] =	vst v0  }
0x31: {  	[tilespmem:$0x2AC0] =	vst v0  }
0x32: {  	[tilespmem:$0x2AD0] =	vst v0  }
0x33: {  	[tilespmem:$0x2AE0] =	vst v0  }
0x34: {  	[tilespmem:$0x2AF0] =	vst v0  }
0x35: {  	[tilespmem:$0x2800] =	vst v1  }
0x36: {  	[tilespmem:$0x2810] =	vst v1  }
0x37: {  	[tilespmem:$0x2820] =	vst v1  }
0x38: {  	[tilespmem:$0x2830] =	vst v1  }
0x39: {  	[tilespmem:$0x2840] =	vst v1  }
0x3a: {  	[tilespmem:$0x2850] =	vst v1  }
0x3b: {  	[tilespmem:$0x2860] =	vst v1  }
0x3c: {  	[tilespmem:$0x2870] =	vst v1  }
0x3d: {  	[spmem:s4] =	stream.linear.scatter [tilespmem:s8], [sflag:$0x1], $0x280, $0x38;
	[tilespmem:$0x2D80] =	vst v63  }
0x3e: {  	_ =	swait.ge [sflag:s9], $0x280  }
0x3f: {  	[sflag:s9] =	ssyncset.done $0x0  }
0x40: {  	[sflag:s9] =	ssyncadd.s32 $0xFFFFFD80  }
0x41: {  	[tilespmem:s3], [sflag:$0x1] =	stream.linear.gather [hbm4b:s5+s3], $0x2800, $0x38;
	[tilespmem:$0x2D80] =	vst v63  }
0x42: {  	_ =	swait.ge [sflag:s9], $0x2800  }
0x43: {  	[sflag:s9] =	ssyncset.done $0x0  }
0x44: {  	[sflag:s9] =	ssyncadd.s32 $0xFFFFD800  }
0x45: {  	s15 =	simm.s32 $0x0;
	[bflag:$0x0] =	sbarrier.arrive $0xFFFF  }
0x46: {  	[spmem:s2] =	stream.indirect.scatter.add.f32 [tilespmem:s11], [sflag:$0x1], $0x1, s15, s10, $0xb8;
	[tilespmem:$0x2D80] =	vst v63  }
0x47: {  	_ =	swait.ge [sflag:s9], $0x80  }
0x48: {  	s15 =	simm.s32 $0x200;
	[sflag:s9] =	ssyncset.done $0x0  }
.LBB2_2:
0x49: {  	s16 =	sshra.s32 s15, $0x2;
	[sflag:s9] =	ssyncadd.s32 $0xFFFFFF80;
	p0 =	sne.s32 s15, $0x9E00  }
0x4a: {  	[spmem:s2] =	stream.indirect.scatter.add.f32 [tilespmem:s11], [sflag:$0x1], $0x1, s16, s10, $0xb8;
	[tilespmem:$0x2D80] =	vst v63  }
.Ltmp0:
0x4b: {  	_ = 	snop;
	(pc) =	sbr.rel @p0 .LBB2_2-.Ltmp0, $4  }
0x4c: {  	_ = 	snop  }
0x4d: {  	s15 =	sadd.s32 $0x200, s15  }
0x4e: {  	_ =	swait.ge [sflag:s9], $0x80  }
0x4f: {  	[sflag:s9] =	ssyncset.done $0x0  }
0x50: {  	s14 =	sadd.s32 $0x1, s14  }
0x51: {  	[sflag:s9] =	ssyncadd.s32 $0xFFFFFF80;
	p0 =	sne.s32 s14, s7  }
.Ltmp1:
0x52: {  	[bflag:$0x0] =	sbarrier.arrive $0xFFFF;
	(pc) =	sbr.rel @p0 .LBB2_1-.Ltmp1, $4  }
0x53: {  	[hbm:s6], [sflag:s12] =	dma.local [spmem:s13], $0x50  }
0x54: {  	_ =	swait.ge [sflag:s9], $0x50  }
0x55: {  	[sflag:s9] =	ssyncset.done $0x0  }
0x56: {  	[sflag:s9] =	ssyncadd.s32 $0xFFFFFFB0  }
0x57: {  	_ =	sfence.sel $0x180000  }
0x58: {  	[bflag:$0x0] =	sbarrier.arrive $0xFFFF  }
0x59: {  	p0 =	sne.s32 s1, $0x0;
	_ =	strace $0x90000047  }
0x5a: {  	s0 =	sadd.s32 @!p0 $0x100000, s0;
	[bflag:$0x2] =	sbarrier.arrive $0xFFFF  }
0x5b: {  	[sflag:s0] =	ssyncadd.tile.s32 @!p0 $0x1;
	_ =	shalt  }
.Lfunc_end2:
_tile_overlayer_lowered:
.L_overlay_start_2:
0x5c: {  	(tag) =	ssettag $0x2  }
0x5d: {  	s0 =	rddreg [dreg:$0x0];
	s2 =	stileid.u32  }
0x5e: {  	s1 =	rddreg [dreg:$0x1];
	p0 =	sne.s32 s2, $0x0  }
0x5f: {  	s3 =	rddreg [dreg:$0x2];
	[bflag:$0x3] =	sbarrier.arrive $0xFFFF;
	s2 =	simm.s32 @!p0 $0x1C01  }
0x60: {  	[timem:s3], [sflag:s2] =	dma.local @!p0 [hbm:s0], s1  }
0x61: {  	s0 =	simm.s32 @!p0 $0x1  }
0x62: {  	_ =	swait.ge @!p0 [sflag:s0], s1  }
0x63: {  	s1 =	ssub.s32 @!p0 $0x0, s1;
	[sflag:s0] =	ssyncset.done @!p0 $0x0  }
0x64: {  	[sflag:s0] =	ssyncadd.s32 @!p0 s1  }
0x65: {  	[bflag:$0x3] =	sbarrier.arrive $0xFFFF  }
0x66: {  	_ =	shalt  }

// kernel: kernel.9.cloned.1.call-start
scs
__scs_entry_jumppad:
0x0: {  	(pc) =	sbr.rel $0x88, $3  }
0x1: {  	(tag) =	ssettag $0x0;
	lr =	simm.s32 $0x1  }
0x2: {  	[smem:$0x3F9D] =	sst lr;
	_ =	strace $0xD0000000  }
0x3: {  	_ = 	snop  }
0x4: {  	_ = 	snop  }
0x5: {  	_ = 	snop  }
0x6: {  	_ = 	snop  }
0x7: {  	_ = 	snop  }
__scs_overlays_trampoline_lowered:
0x8: {  	[smem:$0x3FAC] =	sst s0  }
0x9: {  	[smem:$0x3FAD] =	sst s1  }
0xa: {  	[smem:$0x3FAE] =	sst s2  }
0xb: {  	[smem:$0x3FAF] =	sst s3  }
0xc: {  	[smem:$0x3FB0] =	sst s4  }
0xd: {  	[smem:$0x3FB1] =	sst s5  }
0xe: {  	[smem:$0x3FB2] =	sst s6  }
0xf: {  	[smem:$0x3FB3] =	sst s7  }
0x10: {  	[smem:$0x3FB4] =	sst s8  }
0x11: {  	[smem:$0x3FB5] =	sst s9;
	s0 =	simm.s32 @!p0 $0x0  }
0x12: {  	s1 =	sld [smem:$0x3F9B];
	s0 =	simm.s32 @p0 $0x1  }
0x13: {  	[smem:$0x3FB6] =	sst s0;
	s0 =	simm.s32 @!p1 $0x0  }
0x14: {  	s2 =	sld [smem:$0x3F9A];
	s0 =	simm.s32 @p1 $0x1  }
0x15: {  	[smem:$0x3FB7] =	sst s0;
	s0 =	simm.s32 @!p2 $0x0  }
0x16: {  	s3 =	sld [smem:$0x3FDB];
	s0 =	simm.s32 @p2 $0x1  }
0x17: {  	s4 =	simm.s32 $0x1BF5;
	[smem:$0x3FB9] =	sst s0  }
0x18: {  	s0 =	sld [smem:$0x3F9C];
	_ =	swait.ge [sflag:s4], $0x0  }
0x19: {  	s7 =	sld [smem:$0x3F9D]  }
0x1a: {  	s8 =	sadd.s32 $0xFFFFE003, lr  }
0x1b: {  	s9 =	sadd.s32 $0xFFFFFEF7, lr;
	s5 =	simm.s32 $0xFFFFFFFF;
	p2 =	slt.u32 s8, $0xFFFFF086  }
0x1c: {  	p1 =	slt.u32 s9, $0xF7A;
	s5 =	simm.s32 @!p2 $0x0  }
0x1d: {  	s5 =	simm.s32 @p1 $0x1;
	p0 =	seq.s32 s7, s2  }
0x1e: {  	s7 =	smul.u32 @!p0 $0xF7A, s2;
	p2 =	seq.s32 @!p0 s5, $0x0  }
0x1f: {  	s9 =	smul.u32 $0xF7A, s1;
	s8 =	simm.s32 @!p0 $0x1BF5;
	p2 =	por !p2, p0  }
0x20: {  	[sflag:s8] =	ssyncset.s32 @!p0 $0xFFFFF086;
	s6 =	sadd.s32 @!p0 s3, s7;
	s7 =	simm.s32 @!p0 $0x108  }
0x21: {  	s3 =	sadd.s32 s3, s9;
	s6 =	sadd.s32 @!p0 $0x88, s6;
	s7 =	simm.s32 @p2 $0x1082  }
0x22: {  	[simem:s7], [sflag:s8] =	dma.local @!p0 [hbm:s6], $0xF7A  }
0x23: {  	s9 =	sor.u32 $0xD0000000, s2;
	s6 =	simm.s32 $0x108;
	_ =	swait.ge @!p0 [sflag:s8], $0x0  }
0x24: {  	s3 =	sadd.s32 $0x88, s3;
	s6 =	simm.s32 @!p1 $0x1082;
	[sflag:s4] =	ssyncset.s32 $0xFFFFF086  }
0x25: {  	[simem:s6], [sflag:s4] =	dma.local [hbm:s3], $0xF7A  }
0x26: {  	[smem:$0x3F9D] =	sst s1;
	(tag) =	ssettag s2;
	_ =	strace s9  }
0x27: {  	s1 =	sld [smem:$0x3FAD]  }
0x28: {  	s2 =	sld [smem:$0x3FAE]  }
0x29: {  	s4 =	sld [smem:$0x3FB0]  }
0x2a: {  	p0 =	seq.s32 s5, $0x0;
	s5 =	sld [smem:$0x3FB1]  }
0x2b: {  	s6 =	sld [smem:$0x3FB2]  }
0x2c: {  	s7 =	sld [smem:$0x3FB3]  }
0x2d: {  	s3 =	simm.s32 $0x108;
	s8 =	sld [smem:$0x3FB4]  }
0x2e: {  	s3 =	simm.s32 @!p0 $0x1082;
	s9 =	sld [smem:$0x3FB5]  }
0x2f: {  	lr =	sadd.s32 s0, s3;
	s0 =	sld [smem:$0x3FAC]  }
0x30: {  	s3 =	sld [smem:$0x3FAF]  }
0x31: {  	[smem:$0x3FB8] =	sst s10  }
0x32: {  	s10 =	sld [smem:$0x3FB6];
	_ =	sdelay $0x3  }
0x33: {  	p0 =	seq.s32 s10, $0x1;
	s10 =	sld [smem:$0x3FB8];
	_ =	sdelay $0x3  }
0x34: {  	[smem:$0x3FB8] =	sst s10  }
0x35: {  	s10 =	sld [smem:$0x3FB7];
	_ =	sdelay $0x3  }
0x36: {  	p1 =	seq.s32 s10, $0x1;
	s10 =	sld [smem:$0x3FB8];
	_ =	sdelay $0x3  }
0x37: {  	[smem:$0x3FB8] =	sst s10  }
0x38: {  	s10 =	sld [smem:$0x3FB9]  }
0x39: {  	_ = 	snop;
	(pc) =	sbr.ind lr, $3  }
0x3a: {  	_ = 	snop  }
0x3b: {  	_ = 	snop  }
0x3c: {  	p2 =	seq.s32 s10, $0x1;
	s10 =	sld [smem:$0x3FB8]  }
0x3d: {  	_ =	shalt  }
0x3e: {  	_ =	shalt  }
0x3f: {  	_ =	shalt  }
0x40: {  	_ =	shalt  }
0x41: {  	_ =	shalt  }
0x42: {  	_ =	shalt  }
0x43: {  	_ =	shalt  }
0x44: {  	_ =	shalt  }
0x45: {  	_ =	shalt  }
0x46: {  	_ =	shalt  }
0x47: {  	_ =	shalt  }
0x48: {  	_ =	shalt  }
0x49: {  	_ =	shalt  }
0x4a: {  	_ =	shalt  }
0x4b: {  	_ =	shalt  }
0x4c: {  	_ =	shalt  }
0x4d: {  	_ =	shalt  }
0x4e: {  	_ =	shalt  }
0x4f: {  	_ =	shalt  }
0x50: {  	_ =	shalt  }
0x51: {  	_ =	shalt  }
0x52: {  	_ =	shalt  }
0x53: {  	_ =	shalt  }
0x54: {  	_ =	shalt  }
0x55: {  	_ =	shalt  }
0x56: {  	_ =	shalt  }
0x57: {  	_ =	shalt  }
0x58: {  	_ =	shalt  }
0x59: {  	_ =	shalt  }
0x5a: {  	_ =	shalt  }
0x5b: {  	_ =	shalt  }
0x5c: {  	_ =	shalt  }
0x5d: {  	_ =	shalt  }
0x5e: {  	_ =	shalt  }
0x5f: {  	_ =	shalt  }
0x60: {  	_ =	shalt  }
0x61: {  	_ =	shalt  }
0x62: {  	_ =	shalt  }
0x63: {  	_ =	shalt  }
0x64: {  	_ =	shalt  }
0x65: {  	_ =	shalt  }
0x66: {  	_ =	shalt  }
0x67: {  	_ =	shalt  }
0x68: {  	_ =	shalt  }
0x69: {  	_ =	shalt  }
0x6a: {  	_ =	shalt  }
0x6b: {  	_ =	shalt  }
0x6c: {  	_ =	shalt  }
0x6d: {  	_ =	shalt  }
0x6e: {  	_ =	shalt  }
0x6f: {  	_ =	shalt  }
0x70: {  	_ =	shalt  }
0x71: {  	_ =	shalt  }
0x72: {  	_ =	shalt  }
0x73: {  	_ =	shalt  }
0x74: {  	_ =	shalt  }
0x75: {  	_ =	shalt  }
0x76: {  	_ =	shalt  }
0x77: {  	_ =	shalt  }
0x78: {  	_ =	shalt  }
0x79: {  	_ =	shalt  }
0x7a: {  	_ =	shalt  }
0x7b: {  	_ =	shalt  }
0x7c: {  	_ =	shalt  }
0x7d: {  	_ =	shalt  }
0x7e: {  	_ =	shalt  }
0x7f: {  	_ =	shalt  }
0x80: {  	_ =	shalt  }
0x81: {  	_ =	shalt  }
0x82: {  	_ =	shalt  }
0x83: {  	_ =	shalt  }
0x84: {  	_ =	shalt  }
0x85: {  	_ =	shalt  }
0x86: {  	_ =	shalt  }
0x87: {  	_ =	shalt  }
.Lfunc_end0:
.L_simem_size_0:
called_computation.1_lowered:
.L_overlay_start_0:
0x88: {  	s2 =	sld [smem:$0x3FD9]  }
0x89: {  	s3 =	sld [smem:$0x3FFE];
	_ =	sdelay $0x1  }
0x8a: {  	s1 =	srdreg.scid  }
0x8b: {  	s0 =	sand.u32 $0x1, s1  }
0x8c: {  	s17 =	sshll.u32 s0, $0xA;
	s2 =	sadd.s32 s3, s2  }
0x8d: {  	s2 =	sadd.s32 s2, s17  }
0x8e: {  	[smem:$0x3FC4] =	sst s2  }
0x8f: {  	_ = 	snop  }
0x90: {  	s2 =	sld [smem:$0x3FD0];
	(tm) =	ssettm $0x1  }
0x91: {  	s18 =	sld [smem:$0x3FFB];
	_ =	sdelay $0x3  }
0x92: {  	_ =	strace s18  }
0x93: {  	s3 =	sld [smem:$0x3FFC];
	_ =	sdelay $0x3  }
0x94: {  	_ =	strace s3  }
0x95: {  	s3 =	sld [smem:$0x3FFD];
	_ =	sdelay $0x3  }
0x96: {  	_ =	strace s3  }
0x97: {  	_ =	strace $0x8FFFFFFF  }
0x98: {  	s19 =	sld [smem:$0x3FDB];
	_ =	sdelay $0x1  }
0x99: {  	s4 =	simm.s32 $_scs_section_size  }
0x9a: {  	s5 =	simm.s32 $_size__tile_overlayer_lowered;
	s6 =	simm.s32 $_tile_overlayer_lowered  }
0x9b: {  	s22 =	simm.s32 $0x1BFF;
	s21 =	sshll.u32 s6, $0x1;
	s3 =	sadd.s32 s4, s19  }
0x9c: {  	s7 =	simm.s32 $0x0;
	s20 =	sshll.u32 s5, $0x1;
	s5 =	sadd.s32 s21, s3  }
0x9d: {  	[timem:s7], [sflag:s22] =	dma.local [hbm:s5], s20  }
0x9e: {  	_ =	swait.ge [sflag:s22], s20  }
0x9f: {  	s4 =	ssub.s32 $0x0, s20;
	[sflag:s22] =	ssyncset.done $0x0  }
0xa0: {  	[sflag:s22] =	ssyncadd.s32 s4;
	_ =	sdelay $0x1  }
0xa1: {  	s23 =	simm.s32 $0x1B8B  }
0xa2: {  	_ =	swait.ge [sflag:s23], $0x1  }
0xa3: {  	[sflag:s23] =	ssyncset.done $0x0  }
0xa4: {  	s25 =	simm.s32 $0x1B8E;
	s24 =	sld [smem:$0x3FFE];
	[sflag:s23] =	ssyncadd.s32 $0xFFFFFFFF  }
0xa5: {  	s26 =	simm.s32 $execute0_lowered;
	[smem:$0x3FD2] =	sst s25  }
0xa6: {  	s5 =	sshll.u32 s26, $0x1;
	_ =	strace $0x80000049;
	[dreg:$0x1] =	wrdreg $0xFFFFFFFF  }
0xa7: {  	s28 =	simm.s32 $_size_execute0_lowered;
	s3 =	sadd.s32 s3, s5;
	[dreg:$0x0] =	wrdreg $0x0  }
0xa8: {  	s5 =	sshll.u32 s28, $0x1;
	[dreg:$0x2] =	wrdreg s3  }
0xa9: {  	[dreg:$0x3] =	wrdreg s5  }
0xaa: {  	[dreg:$0x4] =	wrdreg $0xC0  }
0xab: {  	_ =	task [dreg:s7], $0x5FFFF  }
0xac: {  	[dreg:$0x1] =	wrdreg $0xFFFFFFFF  }
0xad: {  	[dreg:$0x0] =	wrdreg $0x60  }
0xae: {  	[dreg:$0x2] =	wrdreg s2  }
0xaf: {  	[dreg:$0x3] =	wrdreg s24  }
0xb0: {  	[dreg:$0x4] =	wrdreg $0x90000  }
0xb1: {  	[dreg:$0x5] =	wrdreg $0x9  }
0xb2: {  	_ =	task.clear_ibuf [dreg:s7], $0x6FFFF;
	_ =	strace $0x90000049  }
0xb3: {  	s29 =	simm.s32 $0x9;
	_ =	strace $0x8000004B  }
0xb4: {  	_ =	swait.ge [sflag:s29], $0x1  }
0xb5: {  	[sflag:s29] =	ssyncadd.s32 $0xFFFFFFFF  }
0xb6: {  	_ =	strace $0x9000004B  }
0xb7: {  	_ =	sfence  }
0xb8: {  	s30 =	sld [smem:$0x0];
	_ =	sdelay $0x2  }
0xb9: {  	s31 =	sshll.u32 s1, $0xD;
	s1 =	sshrl.u32 s1, $0x2  }
0xba: {  	s3 =	sand.u32 $0x4000, s31;
	s1 =	sadd.s32 s1, s30  }
0xbb: {  	s0 =	sor.u32 s3, s0;
	s1 =	sshll.u32 s1, $0x11  }
0xbc: {  	s0 =	sor.u32 s1, s0  }
0xbd: {  	s0 =	sadd.s32 $0x8F2B, s0  }
0xbe: {  	[sflag:s0] =	ssyncadd.remote.s32 $0x1  }
0xbf: {  	_ =	sfence.sel $0xFFFF  }
0xc0: {  	[dreg:$0x0] =	wrdreg $0xFFFFFFFF;
	(pc) =	sbr.abs _section_cstart, $3  }
0xc1: {  	[dreg:$0x1] =	wrdreg $0xFFFFFFFF  }
0xc2: {  	_ =	task.clear_ibuf [dreg:s7], $0x2FFFF;
	_ =	strace $0x9FFFFFFF  }
0xc3: {  	(tm) =	ssettm $0x7FFFFFFF  }
tec
execute0_lowered:
.L_overlay_start_1:
0x0: {  	(tag) =	ssettag $0x1  }
0x1: {  	s2 =	rddreg [dreg:$0x0]  }
0x2: {  	s0 =	srdreg.scid;
	s6 =	rddreg [dreg:$0x1]  }
0x3: {  	s3 =	rddreg [dreg:$0x2];
	s4 =	simm.s32 $0x0;
	s14 =	simm.s32 $0x5000  }
0x4: {  	s15 =	simm.s32 $0x2;
	s16 =	simm.s32 $0x2800;
	s5 =	sand.u32 $0x1, s0  }
0x5: {  	s17 =	simm.s32 $0x80;
	s0 =	stileid.u32;
	s8 =	smul.u32 $0x13C000, s5  }
0x6: {  	s18 =	simm.s32 $0x1;
	s21 =	simm.s32 $0x0;
	s9 =	smul.u32 $0x13C00, s0  }
0x7: {  	[smem:$0x7FF] =	sst s4;
	s1 =	sshll.u32 s5, $0x4;
	s10 =	smul.u32 $0x4F000, s0  }
0x8: {  	s29 =	ssub.s32 $0x2, s5;
	s19 =	sshll.u32 s0, $0x6;
	s1 =	sor.u32 s0, s1  }
0x9: {  	s31 =	sshrl.u32 s29, $0x1;
	s19 =	sor.u32 $0x1C02, s19;
	s7 =	smul.u32 $0x500, s1  }
0xa: {  	s1 =	rddreg [dreg:$0x3];
	_ =	strace $0x8000004A;
	s30 =	sshrl.u32 s10, $0x2  }
0xb: {  	s28 =	sadd.s32 s9, s8;
	s13 =	ssub.s32 s29, s31;
	s5 =	sadd.s32 s30, s3  }
0xc: {  	s13 =	smax.u32 s13, $0x1;
	s11 =	sadd.s32 s7, s6;
	s7 =	sshrl.u32 s28, $0x3  }
0xd: {  	s8 =	sadd.s32 $0xC000, s5;
	s9 =	sadd.s32 $0x10000, s5;
	s20 =	sshrl.u32 s5, $0x3  }
0xe: {  	s12 =	sadd.s32 s7, s6;
	s6 =	sadd.s32 $0x4000, s5;
	s7 =	sadd.s32 $0x8000, s5  }
0xf: {  	v0 =	vimm.f32 $0.0e+00;
	s10 =	sadd.s32 $0xBA00, s11;
	s11 =	sadd.s32 $0x1A00, s11;
	s12 =	sadd.s32 $0x15A00, s12  }
.LBB2_1:
0x10: {  	s22 =	sand.u32 $0xFE00, s4  }
0x11: {  	s23 =	sand.u32 $0x70, s4;
	s24 =	sshrl.u32 s22, $0x2  }
0x12: {  	s22 =	simm.s32 $0x40;
	s24 =	sor.u32 s23, s24;
	s23 =	simm.s32 $0x0  }
.LBB2_2:
0x13: {  	p0 =	sne.s32 s22, $0xFFC0  }
0x14: {  	[tilespmem:s24+$0x5000] =	vst v0;
	s23 =	sadd.s32 $0x10, s23;
	s24 =	smov.u32 s22;
	s22 =	sadd.s32 $0x40, s22  }
.Ltmp0:
0x15: {  	(pc) =	sbr.rel @p0 .LBB2_2-.Ltmp0, $4  }
0x16: {  	_ = 	snop  }
0x17: {  	s24 =	sand.u32 $0xFE00, s24  }
0x18: {  	s25 =	sand.u32 $0x70, s23;
	s24 =	sshrl.u32 s24, $0x2  }
0x19: {  	s24 =	sor.u32 s25, s24  }
0x1a: {  	[tilespmem:s24+$0x5000] =	vst v0  }
0x1b: {  	[spmem:s5] =	stream.linear.scatter [tilespmem:s14], [sflag:$0x2], $0x4000, $0x38;
	[tilespmem:$0x1CC00] =	vst v63  }
0x1c: {  	_ =	swait.ge [sflag:s15], $0x4000  }
0x1d: {  	[sflag:s15] =	ssyncset.done $0x0  }
0x1e: {  	[sflag:s15] =	ssyncadd.s32 $0xFFFFC000  }
0x1f: {  	[spmem:s6] =	stream.linear.scatter [tilespmem:s14], [sflag:$0x2], $0x4000, $0x38;
	[tilespmem:$0x1CC00] =	vst v63  }
0x20: {  	_ =	swait.ge [sflag:s15], $0x4000  }
0x21: {  	[sflag:s15] =	ssyncset.done $0x0  }
0x22: {  	[sflag:s15] =	ssyncadd.s32 $0xFFFFC000  }
0x23: {  	[spmem:s7] =	stream.linear.scatter [tilespmem:s14], [sflag:$0x2], $0x4000, $0x38;
	[tilespmem:$0x1CC00] =	vst v63  }
0x24: {  	_ =	swait.ge [sflag:s15], $0x4000  }
0x25: {  	[sflag:s15] =	ssyncset.done $0x0  }
0x26: {  	[sflag:s15] =	ssyncadd.s32 $0xFFFFC000  }
0x27: {  	[spmem:s8] =	stream.linear.scatter [tilespmem:s14], [sflag:$0x2], $0x4000, $0x38;
	[tilespmem:$0x1CC00] =	vst v63  }
0x28: {  	_ =	swait.ge [sflag:s15], $0x4000  }
0x29: {  	[sflag:s15] =	ssyncset.done $0x0  }
0x2a: {  	[sflag:s15] =	ssyncadd.s32 $0xFFFFC000  }
0x2b: {  	[spmem:s9] =	stream.linear.scatter [tilespmem:s14], [sflag:$0x2], $0x3C00, $0x38;
	[tilespmem:$0x1CC00] =	vst v63  }
0x2c: {  	_ =	swait.ge [sflag:s15], $0x3C00  }
0x2d: {  	[sflag:s15] =	ssyncset.done $0x0  }
0x2e: {  	s22 =	simm.s32 $0x0;
	[sflag:s15] =	ssyncadd.s32 $0xFFFFC400  }
0x2f: {  	[tilespmem:s22], [sflag:$0x2] =	stream.linear.gather [hbm4b:s10+s22], $0x2800, $0x38;
	[tilespmem:$0x1CC00] =	vst v63  }
0x30: {  	_ =	swait.ge [sflag:s15], $0x2800  }
0x31: {  	[sflag:s15] =	ssyncset.done $0x0  }
0x32: {  	[sflag:s15] =	ssyncadd.s32 $0xFFFFD800  }
0x33: {  	[tilespmem:s16], [sflag:$0x2] =	stream.linear.gather [hbm4b:s11+s22], $0x2800, $0x38;
	[tilespmem:$0x1CC00] =	vst v63  }
0x34: {  	_ =	swait.ge [sflag:s15], $0x2800  }
0x35: {  	[sflag:s15] =	ssyncset.done $0x0  }
0x36: {  	[sflag:s15] =	ssyncadd.s32 $0xFFFFD800  }
0x37: {  	s30 =	simm.s32 $0x0;
	[bflag:$0x0] =	sbarrier.arrive $0xFFFF  }
0x38: {  	[tilespmem:s14], [sflag:$0x1] =	stream.indirect.gather [hbm4b:s2+s17], $0x80, s30, s17, $0xb8;
	[tilespmem:$0x1CC00] =	vst v63  }
0x39: {  	_ =	swait.ge [sflag:s18], $0x4000  }
0x3a: {  	[sflag:s18] =	ssyncset.done $0x0  }
0x3b: {  	s31 =	simm.s32 $0x2800;
	[sflag:s18] =	ssyncadd.s32 $0xFFFFC000  }
0x3c: {  	[spmem:s3] =	stream.indirect.scatter.add.f32 [tilespmem:s14], [sflag:$0x2], $0x80, s31, s17, $0xb8;
	[tilespmem:$0x1CC00] =	vst v63  }
0x3d: {  	_ =	swait.ge [sflag:s15], $0x4000  }
0x3e: {  	s23 =	simm.s32 $0x400;
	s22 =	simm.s32 $0x200;
	[sflag:s15] =	ssyncset.done $0x0  }
.LBB2_4:
0x3f: {  	s24 =	sshra.s32 s22, $0x2  }
0x40: {  	[sflag:s15] =	ssyncadd.s32 $0xFFFFC000;
	s22 =	smov.u32 s23;
	s25 =	sadd.s32 $0x200, s23  }
0x41: {  	[tilespmem:s14], [sflag:$0x1] =	stream.indirect.gather [hbm4b:s2+s17], $0x80, s24, s17, $0xb8;
	[tilespmem:$0x1CC00] =	vst v63  }
0x42: {  	p0 =	sne.s32 s23, $0x9E00;
	_ =	swait.ge [sflag:s18], $0x4000  }
.Ltmp1:
0x43: {  	[sflag:s18] =	ssyncset.done $0x0;
	(pc) =	sbr.rel @p0 .LBB2_4-.Ltmp1, $4  }
0x44: {  	s23 =	sadd.s32 $0x2800, s24;
	[sflag:s18] =	ssyncadd.s32 $0xFFFFC000  }
0x45: {  	[spmem:s3] =	stream.indirect.scatter.add.f32 [tilespmem:s14], [sflag:$0x2], $0x80, s23, s17, $0xb8;
	[tilespmem:$0x1CC00] =	vst v63  }
0x46: {  	_ =	swait.ge [sflag:s15], $0x4000  }
0x47: {  	s23 =	smov.u32 s25;
	[sflag:s15] =	ssyncset.done $0x0  }
0x48: {  	s22 =	sshra.s32 s22, $0x2;
	[sflag:s15] =	ssyncadd.s32 $0xFFFFC000  }
0x49: {  	[tilespmem:s14], [sflag:$0x1] =	stream.indirect.gather [hbm4b:s2+s17], $0x80, s22, s17, $0xb8;
	[tilespmem:$0x1CC00] =	vst v63  }
0x4a: {  	_ =	swait.ge [sflag:s18], $0x4000  }
0x4b: {  	[sflag:s18] =	ssyncset.done $0x0  }
0x4c: {  	s22 =	sadd.s32 $0x2800, s22;
	[sflag:s18] =	ssyncadd.s32 $0xFFFFC000  }
0x4d: {  	[spmem:s3] =	stream.indirect.scatter.add.f32 [tilespmem:s14], [sflag:$0x2], $0x80, s22, s17, $0xb8;
	[tilespmem:$0x1CC00] =	vst v63  }
0x4e: {  	_ =	swait.ge [sflag:s15], $0x4000  }
0x4f: {  	s21 =	sadd.s32 $0x1, s21;
	[sflag:s15] =	ssyncset.done $0x0  }
0x50: {  	p0 =	sne.s32 s21, s13;
	[sflag:s15] =	ssyncadd.s32 $0xFFFFC000  }
.Ltmp2:
0x51: {  	[bflag:$0x0] =	sbarrier.arrive $0xFFFF;
	(pc) =	sbr.rel @p0 .LBB2_1-.Ltmp2, $4  }
0x52: {  	[hbm:s12], [sflag:s19] =	dma.local [spmem:s20], $0x2780  }
0x53: {  	_ =	swait.ge [sflag:s15], $0x2780  }
0x54: {  	[sflag:s15] =	ssyncset.done $0x0  }
0x55: {  	[sflag:s15] =	ssyncadd.s32 $0xFFFFD880  }
0x56: {  	_ =	sfence.sel $0x180000  }
0x57: {  	[bflag:$0x0] =	sbarrier.arrive $0xFFFF  }
0x58: {  	p0 =	sne.s32 s0, $0x0;
	_ =	strace $0x9000004A  }
0x59: {  	s0 =	sadd.s32 @!p0 $0x100000, s1;
	[bflag:$0x2] =	sbarrier.arrive $0xFFFF  }
0x5a: {  	[sflag:s0] =	ssyncadd.tile.s32 @!p0 $0x1;
	_ =	shalt  }
.Lfunc_end2:
_tile_overlayer_lowered:
.L_overlay_start_2:
0x5b: {  	(tag) =	ssettag $0x2  }
0x5c: {  	s0 =	rddreg [dreg:$0x0];
	s2 =	stileid.u32  }
0x5d: {  	s1 =	rddreg [dreg:$0x1];
	p0 =	sne.s32 s2, $0x0  }
0x5e: {  	s3 =	rddreg [dreg:$0x2];
	[bflag:$0x3] =	sbarrier.arrive $0xFFFF;
	s2 =	simm.s32 @!p0 $0x1C02  }
0x5f: {  	[timem:s3], [sflag:s2] =	dma.local @!p0 [hbm:s0], s1  }
0x60: {  	s0 =	simm.s32 @!p0 $0x2  }
0x61: {  	_ =	swait.ge @!p0 [sflag:s0], s1  }
0x62: {  	s1 =	ssub.s32 @!p0 $0x0, s1;
	[sflag:s0] =	ssyncset.done @!p0 $0x0  }
0x63: {  	[sflag:s0] =	ssyncadd.s32 @!p0 s1  }
0x64: {  	[bflag:$0x3] =	sbarrier.arrive $0xFFFF  }
0x65: {  	_ =	shalt  }

</sc_bundles>
